<compile_context>
chip_gen: v7x
topology: tpu7x:2x2x1
jax: 0.10.2.dev20260603
libtpu: 0.0.44.dev20260713+nightly
codegen_flags: <defaults>
</compile_context>

<pallas_src>
import jax
import jax.numpy as jnp
from jax import lax
from jax.experimental import pallas as pl
from jax.experimental.pallas import tpu as pltpu
from jax.experimental.pallas import tpu_sc as plsc

NUM_CANVASES = 3
B, C, H, W = 16, 3, 512, 512

_ROWS = B * C * H
_S = 12288

_NC, _NS = 2, 16
_NW = _NC * _NS
_SC_PER_W = _S // _NW
_SC_CH = 48
_SC_NCH = _SC_PER_W // _SC_CH
_SC_NBUF = 5
_SC_OLAG = 3

_TC_BLOCK = 4096


def _ring_copy(src, dst, bufs, isems, osems, base, ch, nch, nbuf, olag):

    def start_in(j):
        b = j % nbuf
        return pltpu.async_copy(
            src.at[pl.ds(base + j * ch, ch)], bufs.at[b], isems.at[b]
        )

    def start_out(j):
        b = j % nbuf
        return pltpu.async_copy(
            bufs.at[b], dst.at[pl.ds(base + j * ch, ch)], osems.at[b]
        )

    descs = {}
    for j in range(min(nbuf, nch)):
        descs[("i", j)] = start_in(j)
    for i in range(nch):
        descs[("i", i)].wait()
        descs[("o", i)] = start_out(i)
        j = i - olag + nbuf
        if i >= olag and j < nch:
            descs[("o", i - olag)].wait()
            descs[("i", j)] = start_in(j)
    for i in range(max(nch - nbuf, 0), nch):
        descs[("o", i)].wait()


def _sc_body(src, out, bufs, isems, osems):
    wid = lax.axis_index("s") * _NC + lax.axis_index("c")
    base = wid * _SC_PER_W
    _ring_copy(src, out, bufs, isems, osems, base, _SC_CH, _SC_NCH, _SC_NBUF, _SC_OLAG)


_sc_store = pl.kernel(
    _sc_body,
    out_type=jax.ShapeDtypeStruct((_ROWS, W), jnp.float32),
    mesh=plsc.VectorSubcoreMesh(
        core_axis_name="c", subcore_axis_name="s", num_cores=_NC, num_subcores=_NS
    ),
    scratch_types=[
        pltpu.VMEM((_SC_NBUF, _SC_CH, W), jnp.float32),
        pltpu.SemaphoreType.DMA((_SC_NBUF,)),
        pltpu.SemaphoreType.DMA((_SC_NBUF,)),
    ],
)


def _tc_fill_body(src_ref, partial_ref, out_ref):
    del partial_ref
    out_ref[...] = src_ref[...]


def _tc_fill(flat, partial):
    nblk = (_ROWS - _S) // _TC_BLOCK
    return pl.pallas_call(
        _tc_fill_body,
        grid=(nblk,),
        in_specs=[
            pl.BlockSpec((_TC_BLOCK, W), lambda i: (_S // _TC_BLOCK + i, 0)),
            pl.BlockSpec(memory_space=pl.ANY),
        ],
        out_specs=pl.BlockSpec((_TC_BLOCK, W), lambda i: (_S // _TC_BLOCK + i, 0)),
        out_shape=jax.ShapeDtypeStruct((_ROWS, W), jnp.float32),
        input_output_aliases={1: 0},
    )(flat, partial)


def kernel(img_batch, canvases):
    del canvases
    flat = img_batch.reshape(_ROWS, W)
    partial = _sc_store(flat)
    return _tc_fill(flat, partial).reshape(B, C, H, W)

# --- scband reference (transcript-rebuilt; emitter-appended) ---
"""Pipeline reference for scband-vision-canvases-13752485281867 (READ-ONLY COPY).

The authoritative reference and input builder live on the scoring server;
editing this copy changes nothing except your own understanding.
"""

import jax, jax.numpy as jnp
import numpy as np

NUM_CANVASES = 3
B, C, H, W = 16, 3, 512, 512


def setup_inputs(seed: int = 0) -> dict:
    key = jax.random.key(seed)
    k1, k2 = jax.random.split(key)
    img_batch = jax.random.normal(k1, (B, C, H, W), dtype=jnp.float32)
    # Pre-populated (non-empty) ring buffer of canvases, as after a prior store()
    canvases = jax.random.normal(k2, (NUM_CANVASES, B, C, H, W), dtype=jnp.float32)
    return {"img_batch": img_batch, "canvases": canvases}


def reference(img_batch, canvases):
    # Faithful translation of VisionCanvases.forward on the non-empty path:
    #   current_index = (current_index + 1) % num_canvases
    #   canvases[current_index] *= 0
    #   canvases[current_index] += img_batch
    #   return self[0]  -> canvases[(current_index - 0) % num_canvases]
    current_index = 0
    new_index = (current_index + 1) % NUM_CANVASES
    canvases = canvases.at[new_index].multiply(0.0)  # scatter-overwrite: zero the slot
    canvases = canvases.at[new_index].add(img_batch)  # scatter-add the new batch
    return canvases[new_index]

if __name__ == "__main__":
    import jax
    _d = setup_inputs()
    print(jax.jit(kernel)(*tuple(_d.values())))

</pallas_src>

<mosaic_0001>
#map = affine_map<(d0, d1) -> (0, 0)>
module attributes {stable_mosaic.version = 14 : i64} {
  func.func @_sc_body(%arg0: i32, %arg1: i32, %arg2: memref<24576x512xf32, #tpu.memory_space<hbm>>, %arg3: memref<24576x512xf32, #tpu.memory_space<hbm>>, %arg4: memref<5x48x512xf32, #tpu.memory_space<vmem>>, %arg5: memref<5x!tpu.dma_semaphore, #tpu.memory_space<semaphore_mem>>, %arg6: memref<5x!tpu.dma_semaphore, #tpu.memory_space<semaphore_mem>>) attributes {dimension_semantics = [#tpu.dimension_semantics<core_parallel>, #tpu.dimension_semantics<subcore_parallel>], iteration_bounds = array<i64: 2, 16>, scalar_prefetch = 0 : i64, scratch_operands = 3 : i64, tpu.core_type = #tpu.core_type<sc_vector_subcore>, window_params = [{transform_indices = #map}, {transform_indices = #map}]} {
    %mul3A = arith.constant 2 : i32
    %mul3A_0 = arith.muli %arg1, %mul3A : i32
    %add3A = arith.addi %mul3A_0, %arg0 : i32
    %mul3A_1 = arith.constant 384 : i32
    %mul3A_2 = arith.muli %add3A, %mul3A_1 : i32
    %add3A_3 = arith.constant 0 : i32
    %add3A_4 = arith.addi %mul3A_2, %add3A_3 : i32
    %dma_start3A = arith.constant 0 : i32
    %dma_start3A_5 = arith.constant 0 : i32
    %dma_start3A_6 = arith.constant 0 : i32
    %dma_start3A_7 = arith.constant 0 : i32
    %dma_start3A_8 = tpu.memref_slice %arg4[%dma_start3A, %dma_start3A_6, %dma_start3A_7] : memref<5x48x512xf32, #tpu.memory_space<vmem>> -> memref<1x48x512xf32, #tpu.memory_space<vmem>>
    %dma_start3A_9 = tpu.memref_squeeze %dma_start3A_8 : memref<1x48x512xf32, #tpu.memory_space<vmem>> -> memref<48x512xf32, #tpu.memory_space<vmem>>
    %dma_start3A_10 = arith.constant 0 : i32
    %dma_start3A_11 = tpu.memref_slice %arg2[%add3A_4, %dma_start3A_10] : memref<24576x512xf32, #tpu.memory_space<hbm>> -> memref<48x512xf32, #tpu.memory_space<hbm>>
    %dma_start3A_12 = tpu.memref_slice %arg5[%dma_start3A_5] : memref<5x!tpu.dma_semaphore, #tpu.memory_space<semaphore_mem>> -> memref<1x!tpu.dma_semaphore, #tpu.memory_space<semaphore_mem>>
    %dma_start3A_13 = tpu.memref_squeeze %dma_start3A_12 : memref<1x!tpu.dma_semaphore, #tpu.memory_space<semaphore_mem>> -> memref<!tpu.dma_semaphore, #tpu.memory_space<semaphore_mem>>
    %dma_start3A_14 = arith.constant 0 : i32
    %dma_start3A_15 = arith.constant 0 : i32
    %dma_start3A_16 = tpu.memref_slice %arg4[%dma_start3A, %dma_start3A_14, %dma_start3A_15] : memref<5x48x512xf32, #tpu.memory_space<vmem>> -> memref<1x48x512xf32, #tpu.memory_space<vmem>>
    %dma_start3A_17 = tpu.memref_squeeze %dma_start3A_16 : memref<1x48x512xf32, #tpu.memory_space<vmem>> -> memref<48x512xf32, #tpu.memory_space<vmem>>
    %dma_start3A_18 = arith.constant 0 : i32
    %dma_start3A_19 = tpu.memref_slice %arg2[%add3A_4, %dma_start3A_18] : memref<24576x512xf32, #tpu.memory_space<hbm>> -> memref<48x512xf32, #tpu.memory_space<hbm>>
    tpu.enqueue_dma source(%dma_start3A_19 : memref<48x512xf32, #tpu.memory_space<hbm>>) target(%dma_start3A_17 : memref<48x512xf32, #tpu.memory_space<vmem>>) target_semaphore(%dma_start3A_13 : memref<!tpu.dma_semaphore, #tpu.memory_space<semaphore_mem>>)
    %add3A_20 = arith.constant 48 : i32
    %add3A_21 = arith.addi %mul3A_2, %add3A_20 : i32
    %dma_start3A_22 = arith.constant 1 : i32
    %dma_start3A_23 = arith.constant 1 : i32
    %dma_start3A_24 = arith.constant 0 : i32
    %dma_start3A_25 = arith.constant 0 : i32
    %dma_start3A_26 = tpu.memref_slice %arg4[%dma_start3A_22, %dma_start3A_24, %dma_start3A_25] : memref<5x48x512xf32, #tpu.memory_space<vmem>> -> memref<1x48x512xf32, #tpu.memory_space<vmem>>
    %dma_start3A_27 = tpu.memref_squeeze %dma_start3A_26 : memref<1x48x512xf32, #tpu.memory_space<vmem>> -> memref<48x512xf32, #tpu.memory_space<vmem>>
    %dma_start3A_28 = arith.constant 0 : i32
    %dma_start3A_29 = tpu.memref_slice %arg2[%add3A_21, %dma_start3A_28] : memref<24576x512xf32, #tpu.memory_space<hbm>> -> memref<48x512xf32, #tpu.memory_space<hbm>>
    %dma_start3A_30 = tpu.memref_slice %arg5[%dma_start3A_23] : memref<5x!tpu.dma_semaphore, #tpu.memory_space<semaphore_mem>> -> memref<1x!tpu.dma_semaphore, #tpu.memory_space<semaphore_mem>>
    %dma_start3A_31 = tpu.memref_squeeze %dma_start3A_30 : memref<1x!tpu.dma_semaphore, #tpu.memory_space<semaphore_mem>> -> memref<!tpu.dma_semaphore, #tpu.memory_space<semaphore_mem>>
    %dma_start3A_32 = arith.constant 0 : i32
    %dma_start3A_33 = arith.constant 0 : i32
    %dma_start3A_34 = tpu.memref_slice %arg4[%dma_start3A_22, %dma_start3A_32, %dma_start3A_33] : memref<5x48x512xf32, #tpu.memory_space<vmem>> -> memref<1x48x512xf32, #tpu.memory_space<vmem>>
    %dma_start3A_35 = tpu.memref_squeeze %dma_start3A_34 : memref<1x48x512xf32, #tpu.memory_space<vmem>> -> memref<48x512xf32, #tpu.memory_space<vmem>>
    %dma_start3A_36 = arith.constant 0 : i32
    %dma_start3A_37 = tpu.memref_slice %arg2[%add3A_21, %dma_start3A_36] : memref<24576x512xf32, #tpu.memory_space<hbm>> -> memref<48x512xf32, #tpu.memory_space<hbm>>
    tpu.enqueue_dma source(%dma_start3A_37 : memref<48x512xf32, #tpu.memory_space<hbm>>) target(%dma_start3A_35 : memref<48x512xf32, #tpu.memory_space<vmem>>) target_semaphore(%dma_start3A_31 : memref<!tpu.dma_semaphore, #tpu.memory_space<semaphore_mem>>)
    %add3A_38 = arith.constant 96 : i32
    %add3A_39 = arith.addi %mul3A_2, %add3A_38 : i32
    %dma_start3A_40 = arith.constant 2 : i32
    %dma_start3A_41 = arith.constant 2 : i32
    %dma_start3A_42 = arith.constant 0 : i32
    %dma_start3A_43 = arith.constant 0 : i32
    %dma_start3A_44 = tpu.memref_slice %arg4[%dma_start3A_40, %dma_start3A_42, %dma_start3A_43] : memref<5x48x512xf32, #tpu.memory_space<vmem>> -> memref<1x48x512xf32, #tpu.memory_space<vmem>>
    %dma_start3A_45 = tpu.memref_squeeze %dma_start3A_44 : memref<1x48x512xf32, #tpu.memory_space<vmem>> -> memref<48x512xf32, #tpu.memory_space<vmem>>
    %dma_start3A_46 = arith.constant 0 : i32
    %dma_start3A_47 = tpu.memref_slice %arg2[%add3A_39, %dma_start3A_46] : memref<24576x512xf32, #tpu.memory_space<hbm>> -> memref<48x512xf32, #tpu.memory_space<hbm>>
    %dma_start3A_48 = tpu.memref_slice %arg5[%dma_start3A_41] : memref<5x!tpu.dma_semaphore, #tpu.memory_space<semaphore_mem>> -> memref<1x!tpu.dma_semaphore, #tpu.memory_space<semaphore_mem>>
    %dma_start3A_49 = tpu.memref_squeeze %dma_start3A_48 : memref<1x!tpu.dma_semaphore, #tpu.memory_space<semaphore_mem>> -> memref<!tpu.dma_semaphore, #tpu.memory_space<semaphore_mem>>
    %dma_start3A_50 = arith.constant 0 : i32
    %dma_start3A_51 = arith.constant 0 : i32
    %dma_start3A_52 = tpu.memref_slice %arg4[%dma_start3A_40, %dma_start3A_50, %dma_start3A_51] : memref<5x48x512xf32, #tpu.memory_space<vmem>> -> memref<1x48x512xf32, #tpu.memory_space<vmem>>
    %dma_start3A_53 = tpu.memref_squeeze %dma_start3A_52 : memref<1x48x512xf32, #tpu.memory_space<vmem>> -> memref<48x512xf32, #tpu.memory_space<vmem>>
    %dma_start3A_54 = arith.constant 0 : i32
    %dma_start3A_55 = tpu.memref_slice %arg2[%add3A_39, %dma_start3A_54] : memref<24576x512xf32, #tpu.memory_space<hbm>> -> memref<48x512xf32, #tpu.memory_space<hbm>>
    tpu.enqueue_dma source(%dma_start3A_55 : memref<48x512xf32, #tpu.memory_space<hbm>>) target(%dma_start3A_53 : memref<48x512xf32, #tpu.memory_space<vmem>>) target_semaphore(%dma_start3A_49 : memref<!tpu.dma_semaphore, #tpu.memory_space<semaphore_mem>>)
    %add3A_56 = arith.constant 144 : i32
    %add3A_57 = arith.addi %mul3A_2, %add3A_56 : i32
    %dma_start3A_58 = arith.constant 3 : i32
    %dma_start3A_59 = arith.constant 3 : i32
    %dma_start3A_60 = arith.constant 0 : i32
    %dma_start3A_61 = arith.constant 0 : i32
    %dma_start3A_62 = tpu.memref_slice %arg4[%dma_start3A_58, %dma_start3A_60, %dma_start3A_61] : memref<5x48x512xf32, #tpu.memory_space<vmem>> -> memref<1x48x512xf32, #tpu.memory_space<vmem>>
    %dma_start3A_63 = tpu.memref_squeeze %dma_start3A_62 : memref<1x48x512xf32, #tpu.memory_space<vmem>> -> memref<48x512xf32, #tpu.memory_space<vmem>>
    %dma_start3A_64 = arith.constant 0 : i32
    %dma_start3A_65 = tpu.memref_slice %arg2[%add3A_57, %dma_start3A_64] : memref<24576x512xf32, #tpu.memory_space<hbm>> -> memref<48x512xf32, #tpu.memory_space<hbm>>
    %dma_start3A_66 = tpu.memref_slice %arg5[%dma_start3A_59] : memref<5x!tpu.dma_semaphore, #tpu.memory_space<semaphore_mem>> -> memref<1x!tpu.dma_semaphore, #tpu.memory_space<semaphore_mem>>
    %dma_start3A_67 = tpu.memref_squeeze %dma_start3A_66 : memref<1x!tpu.dma_semaphore, #tpu.memory_space<semaphore_mem>> -> memref<!tpu.dma_semaphore, #tpu.memory_space<semaphore_mem>>
    %dma_start3A_68 = arith.constant 0 : i32
    %dma_start3A_69 = arith.constant 0 : i32
    %dma_start3A_70 = tpu.memref_slice %arg4[%dma_start3A_58, %dma_start3A_68, %dma_start3A_69] : memref<5x48x512xf32, #tpu.memory_space<vmem>> -> memref<1x48x512xf32, #tpu.memory_space<vmem>>
    %dma_start3A_71 = tpu.memref_squeeze %dma_start3A_70 : memref<1x48x512xf32, #tpu.memory_space<vmem>> -> memref<48x512xf32, #tpu.memory_space<vmem>>
    %dma_start3A_72 = arith.constant 0 : i32
    %dma_start3A_73 = tpu.memref_slice %arg2[%add3A_57, %dma_start3A_72] : memref<24576x512xf32, #tpu.memory_space<hbm>> -> memref<48x512xf32, #tpu.memory_space<hbm>>
    tpu.enqueue_dma source(%dma_start3A_73 : memref<48x512xf32, #tpu.memory_space<hbm>>) target(%dma_start3A_71 : memref<48x512xf32, #tpu.memory_space<vmem>>) target_semaphore(%dma_start3A_67 : memref<!tpu.dma_semaphore, #tpu.memory_space<semaphore_mem>>)
    %add3A_74 = arith.constant 192 : i32
    %add3A_75 = arith.addi %mul3A_2, %add3A_74 : i32
    %dma_start3A_76 = arith.constant 4 : i32
    %dma_start3A_77 = arith.constant 4 : i32
    %dma_start3A_78 = arith.constant 0 : i32
    %dma_start3A_79 = arith.constant 0 : i32
    %dma_start3A_80 = tpu.memref_slice %arg4[%dma_start3A_76, %dma_start3A_78, %dma_start3A_79] : memref<5x48x512xf32, #tpu.memory_space<vmem>> -> memref<1x48x512xf32, #tpu.memory_space<vmem>>
    %dma_start3A_81 = tpu.memref_squeeze %dma_start3A_80 : memref<1x48x512xf32, #tpu.memory_space<vmem>> -> memref<48x512xf32, #tpu.memory_space<vmem>>
    %dma_start3A_82 = arith.constant 0 : i32
    %dma_start3A_83 = tpu.memref_slice %arg2[%add3A_75, %dma_start3A_82] : memref<24576x512xf32, #tpu.memory_space<hbm>> -> memref<48x512xf32, #tpu.memory_space<hbm>>
    %dma_start3A_84 = tpu.memref_slice %arg5[%dma_start3A_77] : memref<5x!tpu.dma_semaphore, #tpu.memory_space<semaphore_mem>> -> memref<1x!tpu.dma_semaphore, #tpu.memory_space<semaphore_mem>>
    %dma_start3A_85 = tpu.memref_squeeze %dma_start3A_84 : memref<1x!tpu.dma_semaphore, #tpu.memory_space<semaphore_mem>> -> memref<!tpu.dma_semaphore, #tpu.memory_space<semaphore_mem>>
    %dma_start3A_86 = arith.constant 0 : i32
    %dma_start3A_87 = arith.constant 0 : i32
    %dma_start3A_88 = tpu.memref_slice %arg4[%dma_start3A_76, %dma_start3A_86, %dma_start3A_87] : memref<5x48x512xf32, #tpu.memory_space<vmem>> -> memref<1x48x512xf32, #tpu.memory_space<vmem>>
    %dma_start3A_89 = tpu.memref_squeeze %dma_start3A_88 : memref<1x48x512xf32, #tpu.memory_space<vmem>> -> memref<48x512xf32, #tpu.memory_space<vmem>>
    %dma_start3A_90 = arith.constant 0 : i32
    %dma_start3A_91 = tpu.memref_slice %arg2[%add3A_75, %dma_start3A_90] : memref<24576x512xf32, #tpu.memory_space<hbm>> -> memref<48x512xf32, #tpu.memory_space<hbm>>
    tpu.enqueue_dma source(%dma_start3A_91 : memref<48x512xf32, #tpu.memory_space<hbm>>) target(%dma_start3A_89 : memref<48x512xf32, #tpu.memory_space<vmem>>) target_semaphore(%dma_start3A_85 : memref<!tpu.dma_semaphore, #tpu.memory_space<semaphore_mem>>)
    %dma_wait3A = arith.constant 0 : i32
    %dma_wait3A_92 = arith.constant 0 : i32
    %dma_wait3A_93 = arith.constant 0 : i32
    %dma_wait3A_94 = arith.constant 0 : i32
    %dma_wait3A_95 = tpu.memref_slice %arg4[%dma_wait3A, %dma_wait3A_93, %dma_wait3A_94] : memref<5x48x512xf32, #tpu.memory_space<vmem>> -> memref<1x48x512xf32, #tpu.memory_space<vmem>>
    %dma_wait3A_96 = tpu.memref_squeeze %dma_wait3A_95 : memref<1x48x512xf32, #tpu.memory_space<vmem>> -> memref<48x512xf32, #tpu.memory_space<vmem>>
    %dma_wait3A_97 = arith.constant 0 : i32
    %dma_wait3A_98 = tpu.memref_slice %arg2[%add3A_4, %dma_wait3A_97] : memref<24576x512xf32, #tpu.memory_space<hbm>> -> memref<48x512xf32, #tpu.memory_space<hbm>>
    %dma_wait3A_99 = tpu.memref_slice %arg5[%dma_wait3A_92] : memref<5x!tpu.dma_semaphore, #tpu.memory_space<semaphore_mem>> -> memref<1x!tpu.dma_semaphore, #tpu.memory_space<semaphore_mem>>
    %dma_wait3A_100 = tpu.memref_squeeze %dma_wait3A_99 : memref<1x!tpu.dma_semaphore, #tpu.memory_space<semaphore_mem>> -> memref<!tpu.dma_semaphore, #tpu.memory_space<semaphore_mem>>
    %dma_wait3A_101 = arith.constant 0 : i32
    %dma_wait3A_102 = arith.constant 0 : i32
    %dma_wait3A_103 = tpu.memref_slice %arg4[%dma_wait3A, %dma_wait3A_101, %dma_wait3A_102] : memref<5x48x512xf32, #tpu.memory_space<vmem>> -> memref<1x48x512xf32, #tpu.memory_space<vmem>>
    %dma_wait3A_104 = tpu.memref_squeeze %dma_wait3A_103 : memref<1x48x512xf32, #tpu.memory_space<vmem>> -> memref<48x512xf32, #tpu.memory_space<vmem>>
    %dma_wait3A_105 = arith.constant 0 : i32
    %dma_wait3A_106 = tpu.memref_slice %arg2[%add3A_4, %dma_wait3A_105] : memref<24576x512xf32, #tpu.memory_space<hbm>> -> memref<48x512xf32, #tpu.memory_space<hbm>>
    tpu.wait_dma2 semaphore(%dma_wait3A_100 : memref<!tpu.dma_semaphore, #tpu.memory_space<semaphore_mem>>) src(%dma_wait3A_106 : memref<48x512xf32, #tpu.memory_space<hbm>>) dst(%dma_wait3A_104 : memref<48x512xf32, #tpu.memory_space<vmem>>)
    %add3A_107 = arith.constant 0 : i32
    %add3A_108 = arith.addi %mul3A_2, %add3A_107 : i32
    %dma_start3A_109 = arith.constant 0 : i32
    %dma_start3A_110 = arith.constant 0 : i32
    %dma_start3A_111 = arith.constant 0 : i32
    %dma_start3A_112 = arith.constant 0 : i32
    %dma_start3A_113 = tpu.memref_slice %arg4[%dma_start3A_109, %dma_start3A_111, %dma_start3A_112] : memref<5x48x512xf32, #tpu.memory_space<vmem>> -> memref<1x48x512xf32, #tpu.memory_space<vmem>>
    %dma_start3A_114 = tpu.memref_squeeze %dma_start3A_113 : memref<1x48x512xf32, #tpu.memory_space<vmem>> -> memref<48x512xf32, #tpu.memory_space<vmem>>
    %dma_start3A_115 = arith.constant 0 : i32
    %dma_start3A_116 = tpu.memref_slice %arg3[%add3A_108, %dma_start3A_115] : memref<24576x512xf32, #tpu.memory_space<hbm>> -> memref<48x512xf32, #tpu.memory_space<hbm>>
    %dma_start3A_117 = tpu.memref_slice %arg6[%dma_start3A_110] : memref<5x!tpu.dma_semaphore, #tpu.memory_space<semaphore_mem>> -> memref<1x!tpu.dma_semaphore, #tpu.memory_space<semaphore_mem>>
    %dma_start3A_118 = tpu.memref_squeeze %dma_start3A_117 : memref<1x!tpu.dma_semaphore, #tpu.memory_space<semaphore_mem>> -> memref<!tpu.dma_semaphore, #tpu.memory_space<semaphore_mem>>
    %dma_start3A_119 = arith.constant 0 : i32
    %dma_start3A_120 = tpu.memref_slice %arg3[%add3A_108, %dma_start3A_119] : memref<24576x512xf32, #tpu.memory_space<hbm>> -> memref<48x512xf32, #tpu.memory_space<hbm>>
    %dma_start3A_121 = arith.constant 0 : i32
    %dma_start3A_122 = arith.constant 0 : i32
    %dma_start3A_123 = tpu.memref_slice %arg4[%dma_start3A_109, %dma_start3A_121, %dma_start3A_122] : memref<5x48x512xf32, #tpu.memory_space<vmem>> -> memref<1x48x512xf32, #tpu.memory_space<vmem>>
    %dma_start3A_124 = tpu.memref_squeeze %dma_start3A_123 : memref<1x48x512xf32, #tpu.memory_space<vmem>> -> memref<48x512xf32, #tpu.memory_space<vmem>>
    tpu.enqueue_dma source(%dma_start3A_124 : memref<48x512xf32, #tpu.memory_space<vmem>>) target(%dma_start3A_120 : memref<48x512xf32, #tpu.memory_space<hbm>>) target_semaphore(%dma_start3A_118 : memref<!tpu.dma_semaphore, #tpu.memory_space<semaphore_mem>>)
    %dma_wait3A_125 = arith.constant 1 : i32
    %dma_wait3A_126 = arith.constant 1 : i32
    %dma_wait3A_127 = arith.constant 0 : i32
    %dma_wait3A_128 = arith.constant 0 : i32
    %dma_wait3A_129 = tpu.memref_slice %arg4[%dma_wait3A_125, %dma_wait3A_127, %dma_wait3A_128] : memref<5x48x512xf32, #tpu.memory_space<vmem>> -> memref<1x48x512xf32, #tpu.memory_space<vmem>>
    %dma_wait3A_130 = tpu.memref_squeeze %dma_wait3A_129 : memref<1x48x512xf32, #tpu.memory_space<vmem>> -> memref<48x512xf32, #tpu.memory_space<vmem>>
    %dma_wait3A_131 = arith.constant 0 : i32
    %dma_wait3A_132 = tpu.memref_slice %arg2[%add3A_21, %dma_wait3A_131] : memref<24576x512xf32, #tpu.memory_space<hbm>> -> memref<48x512xf32, #tpu.memory_space<hbm>>
    %dma_wait3A_133 = tpu.memref_slice %arg5[%dma_wait3A_126] : memref<5x!tpu.dma_semaphore, #tpu.memory_space<semaphore_mem>> -> memref<1x!tpu.dma_semaphore, #tpu.memory_space<semaphore_mem>>
    %dma_wait3A_134 = tpu.memref_squeeze %dma_wait3A_133 : memref<1x!tpu.dma_semaphore, #tpu.memory_space<semaphore_mem>> -> memref<!tpu.dma_semaphore, #tpu.memory_space<semaphore_mem>>
    %dma_wait3A_135 = arith.constant 0 : i32
    %dma_wait3A_136 = arith.constant 0 : i32
    %dma_wait3A_137 = tpu.memref_slice %arg4[%dma_wait3A_125, %dma_wait3A_135, %dma_wait3A_136] : memref<5x48x512xf32, #tpu.memory_space<vmem>> -> memref<1x48x512xf32, #tpu.memory_space<vmem>>
    %dma_wait3A_138 = tpu.memref_squeeze %dma_wait3A_137 : memref<1x48x512xf32, #tpu.memory_space<vmem>> -> memref<48x512xf32, #tpu.memory_space<vmem>>
    %dma_wait3A_139 = arith.constant 0 : i32
    %dma_wait3A_140 = tpu.memref_slice %arg2[%add3A_21, %dma_wait3A_139] : memref<24576x512xf32, #tpu.memory_space<hbm>> -> memref<48x512xf32, #tpu.memory_space<hbm>>
    tpu.wait_dma2 semaphore(%dma_wait3A_134 : memref<!tpu.dma_semaphore, #tpu.memory_space<semaphore_mem>>) src(%dma_wait3A_140 : memref<48x512xf32, #tpu.memory_space<hbm>>) dst(%dma_wait3A_138 : memref<48x512xf32, #tpu.memory_space<vmem>>)
    %add3A_141 = arith.constant 48 : i32
    %add3A_142 = arith.addi %mul3A_2, %add3A_141 : i32
    %dma_start3A_143 = arith.constant 1 : i32
    %dma_start3A_144 = arith.constant 1 : i32
    %dma_start3A_145 = arith.constant 0 : i32
    %dma_start3A_146 = arith.constant 0 : i32
    %dma_start3A_147 = tpu.memref_slice %arg4[%dma_start3A_143, %dma_start3A_145, %dma_start3A_146] : memref<5x48x512xf32, #tpu.memory_space<vmem>> -> memref<1x48x512xf32, #tpu.memory_space<vmem>>
    %dma_start3A_148 = tpu.memref_squeeze %dma_start3A_147 : memref<1x48x512xf32, #tpu.memory_space<vmem>> -> memref<48x512xf32, #tpu.memory_space<vmem>>
    %dma_start3A_149 = arith.constant 0 : i32
    %dma_start3A_150 = tpu.memref_slice %arg3[%add3A_142, %dma_start3A_149] : memref<24576x512xf32, #tpu.memory_space<hbm>> -> memref<48x512xf32, #tpu.memory_space<hbm>>
    %dma_start3A_151 = tpu.memref_slice %arg6[%dma_start3A_144] : memref<5x!tpu.dma_semaphore, #tpu.memory_space<semaphore_mem>> -> memref<1x!tpu.dma_semaphore, #tpu.memory_space<semaphore_mem>>
    %dma_start3A_152 = tpu.memref_squeeze %dma_start3A_151 : memref<1x!tpu.dma_semaphore, #tpu.memory_space<semaphore_mem>> -> memref<!tpu.dma_semaphore, #tpu.memory_space<semaphore_mem>>
    %dma_start3A_153 = arith.constant 0 : i32
    %dma_start3A_154 = tpu.memref_slice %arg3[%add3A_142, %dma_start3A_153] : memref<24576x512xf32, #tpu.memory_space<hbm>> -> memref<48x512xf32, #tpu.memory_space<hbm>>
    %dma_start3A_155 = arith.constant 0 : i32
    %dma_start3A_156 = arith.constant 0 : i32
    %dma_start3A_157 = tpu.memref_slice %arg4[%dma_start3A_143, %dma_start3A_155, %dma_start3A_156] : memref<5x48x512xf32, #tpu.memory_space<vmem>> -> memref<1x48x512xf32, #tpu.memory_space<vmem>>
    %dma_start3A_158 = tpu.memref_squeeze %dma_start3A_157 : memref<1x48x512xf32, #tpu.memory_space<vmem>> -> memref<48x512xf32, #tpu.memory_space<vmem>>
    tpu.enqueue_dma source(%dma_start3A_158 : memref<48x512xf32, #tpu.memory_space<vmem>>) target(%dma_start3A_154 : memref<48x512xf32, #tpu.memory_space<hbm>>) target_semaphore(%dma_start3A_152 : memref<!tpu.dma_semaphore, #tpu.memory_space<semaphore_mem>>)
    %dma_wait3A_159 = arith.constant 2 : i32
    %dma_wait3A_160 = arith.constant 2 : i32
    %dma_wait3A_161 = arith.constant 0 : i32
    %dma_wait3A_162 = arith.constant 0 : i32
    %dma_wait3A_163 = tpu.memref_slice %arg4[%dma_wait3A_159, %dma_wait3A_161, %dma_wait3A_162] : memref<5x48x512xf32, #tpu.memory_space<vmem>> -> memref<1x48x512xf32, #tpu.memory_space<vmem>>
    %dma_wait3A_164 = tpu.memref_squeeze %dma_wait3A_163 : memref<1x48x512xf32, #tpu.memory_space<vmem>> -> memref<48x512xf32, #tpu.memory_space<vmem>>
    %dma_wait3A_165 = arith.constant 0 : i32
    %dma_wait3A_166 = tpu.memref_slice %arg2[%add3A_39, %dma_wait3A_165] : memref<24576x512xf32, #tpu.memory_space<hbm>> -> memref<48x512xf32, #tpu.memory_space<hbm>>
    %dma_wait3A_167 = tpu.memref_slice %arg5[%dma_wait3A_160] : memref<5x!tpu.dma_semaphore, #tpu.memory_space<semaphore_mem>> -> memref<1x!tpu.dma_semaphore, #tpu.memory_space<semaphore_mem>>
    %dma_wait3A_168 = tpu.memref_squeeze %dma_wait3A_167 : memref<1x!tpu.dma_semaphore, #tpu.memory_space<semaphore_mem>> -> memref<!tpu.dma_semaphore, #tpu.memory_space<semaphore_mem>>
    %dma_wait3A_169 = arith.constant 0 : i32
    %dma_wait3A_170 = arith.constant 0 : i32
    %dma_wait3A_171 = tpu.memref_slice %arg4[%dma_wait3A_159, %dma_wait3A_169, %dma_wait3A_170] : memref<5x48x512xf32, #tpu.memory_space<vmem>> -> memref<1x48x512xf32, #tpu.memory_space<vmem>>
    %dma_wait3A_172 = tpu.memref_squeeze %dma_wait3A_171 : memref<1x48x512xf32, #tpu.memory_space<vmem>> -> memref<48x512xf32, #tpu.memory_space<vmem>>
    %dma_wait3A_173 = arith.constant 0 : i32
    %dma_wait3A_174 = tpu.memref_slice %arg2[%add3A_39, %dma_wait3A_173] : memref<24576x512xf32, #tpu.memory_space<hbm>> -> memref<48x512xf32, #tpu.memory_space<hbm>>
    tpu.wait_dma2 semaphore(%dma_wait3A_168 : memref<!tpu.dma_semaphore, #tpu.memory_space<semaphore_mem>>) src(%dma_wait3A_174 : memref<48x512xf32, #tpu.memory_space<hbm>>) dst(%dma_wait3A_172 : memref<48x512xf32, #tpu.memory_space<vmem>>)
    %add3A_175 = arith.constant 96 : i32
    %add3A_176 = arith.addi %mul3A_2, %add3A_175 : i32
    %dma_start3A_177 = arith.constant 2 : i32
    %dma_start3A_178 = arith.constant 2 : i32
    %dma_start3A_179 = arith.constant 0 : i32
    %dma_start3A_180 = arith.constant 0 : i32
    %dma_start3A_181 = tpu.memref_slice %arg4[%dma_start3A_177, %dma_start3A_179, %dma_start3A_180] : memref<5x48x512xf32, #tpu.memory_space<vmem>> -> memref<1x48x512xf32, #tpu.memory_space<vmem>>
    %dma_start3A_182 = tpu.memref_squeeze %dma_start3A_181 : memref<1x48x512xf32, #tpu.memory_space<vmem>> -> memref<48x512xf32, #tpu.memory_space<vmem>>
    %dma_start3A_183 = arith.constant 0 : i32
    %dma_start3A_184 = tpu.memref_slice %arg3[%add3A_176, %dma_start3A_183] : memref<24576x512xf32, #tpu.memory_space<hbm>> -> memref<48x512xf32, #tpu.memory_space<hbm>>
    %dma_start3A_185 = tpu.memref_slice %arg6[%dma_start3A_178] : memref<5x!tpu.dma_semaphore, #tpu.memory_space<semaphore_mem>> -> memref<1x!tpu.dma_semaphore, #tpu.memory_space<semaphore_mem>>
    %dma_start3A_186 = tpu.memref_squeeze %dma_start3A_185 : memref<1x!tpu.dma_semaphore, #tpu.memory_space<semaphore_mem>> -> memref<!tpu.dma_semaphore, #tpu.memory_space<semaphore_mem>>
    %dma_start3A_187 = arith.constant 0 : i32
    %dma_start3A_188 = tpu.memref_slice %arg3[%add3A_176, %dma_start3A_187] : memref<24576x512xf32, #tpu.memory_space<hbm>> -> memref<48x512xf32, #tpu.memory_space<hbm>>
    %dma_start3A_189 = arith.constant 0 : i32
    %dma_start3A_190 = arith.constant 0 : i32
    %dma_start3A_191 = tpu.memref_slice %arg4[%dma_start3A_177, %dma_start3A_189, %dma_start3A_190] : memref<5x48x512xf32, #tpu.memory_space<vmem>> -> memref<1x48x512xf32, #tpu.memory_space<vmem>>
    %dma_start3A_192 = tpu.memref_squeeze %dma_start3A_191 : memref<1x48x512xf32, #tpu.memory_space<vmem>> -> memref<48x512xf32, #tpu.memory_space<vmem>>
    tpu.enqueue_dma source(%dma_start3A_192 : memref<48x512xf32, #tpu.memory_space<vmem>>) target(%dma_start3A_188 : memref<48x512xf32, #tpu.memory_space<hbm>>) target_semaphore(%dma_start3A_186 : memref<!tpu.dma_semaphore, #tpu.memory_space<semaphore_mem>>)
    %dma_wait3A_193 = arith.constant 3 : i32
    %dma_wait3A_194 = arith.constant 3 : i32
    %dma_wait3A_195 = arith.constant 0 : i32
    %dma_wait3A_196 = arith.constant 0 : i32
    %dma_wait3A_197 = tpu.memref_slice %arg4[%dma_wait3A_193, %dma_wait3A_195, %dma_wait3A_196] : memref<5x48x512xf32, #tpu.memory_space<vmem>> -> memref<1x48x512xf32, #tpu.memory_space<vmem>>
    %dma_wait3A_198 = tpu.memref_squeeze %dma_wait3A_197 : memref<1x48x512xf32, #tpu.memory_space<vmem>> -> memref<48x512xf32, #tpu.memory_space<vmem>>
    %dma_wait3A_199 = arith.constant 0 : i32
    %dma_wait3A_200 = tpu.memref_slice %arg2[%add3A_57, %dma_wait3A_199] : memref<24576x512xf32, #tpu.memory_space<hbm>> -> memref<48x512xf32, #tpu.memory_space<hbm>>
    %dma_wait3A_201 = tpu.memref_slice %arg5[%dma_wait3A_194] : memref<5x!tpu.dma_semaphore, #tpu.memory_space<semaphore_mem>> -> memref<1x!tpu.dma_semaphore, #tpu.memory_space<semaphore_mem>>
    %dma_wait3A_202 = tpu.memref_squeeze %dma_wait3A_201 : memref<1x!tpu.dma_semaphore, #tpu.memory_space<semaphore_mem>> -> memref<!tpu.dma_semaphore, #tpu.memory_space<semaphore_mem>>
    %dma_wait3A_203 = arith.constant 0 : i32
    %dma_wait3A_204 = arith.constant 0 : i32
    %dma_wait3A_205 = tpu.memref_slice %arg4[%dma_wait3A_193, %dma_wait3A_203, %dma_wait3A_204] : memref<5x48x512xf32, #tpu.memory_space<vmem>> -> memref<1x48x512xf32, #tpu.memory_space<vmem>>
    %dma_wait3A_206 = tpu.memref_squeeze %dma_wait3A_205 : memref<1x48x512xf32, #tpu.memory_space<vmem>> -> memref<48x512xf32, #tpu.memory_space<vmem>>
    %dma_wait3A_207 = arith.constant 0 : i32
    %dma_wait3A_208 = tpu.memref_slice %arg2[%add3A_57, %dma_wait3A_207] : memref<24576x512xf32, #tpu.memory_space<hbm>> -> memref<48x512xf32, #tpu.memory_space<hbm>>
    tpu.wait_dma2 semaphore(%dma_wait3A_202 : memref<!tpu.dma_semaphore, #tpu.memory_space<semaphore_mem>>) src(%dma_wait3A_208 : memref<48x512xf32, #tpu.memory_space<hbm>>) dst(%dma_wait3A_206 : memref<48x512xf32, #tpu.memory_space<vmem>>)
    %add3A_209 = arith.constant 144 : i32
    %add3A_210 = arith.addi %mul3A_2, %add3A_209 : i32
    %dma_start3A_211 = arith.constant 3 : i32
    %dma_start3A_212 = arith.constant 3 : i32
    %dma_start3A_213 = arith.constant 0 : i32
    %dma_start3A_214 = arith.constant 0 : i32
    %dma_start3A_215 = tpu.memref_slice %arg4[%dma_start3A_211, %dma_start3A_213, %dma_start3A_214] : memref<5x48x512xf32, #tpu.memory_space<vmem>> -> memref<1x48x512xf32, #tpu.memory_space<vmem>>
    %dma_start3A_216 = tpu.memref_squeeze %dma_start3A_215 : memref<1x48x512xf32, #tpu.memory_space<vmem>> -> memref<48x512xf32, #tpu.memory_space<vmem>>
    %dma_start3A_217 = arith.constant 0 : i32
    %dma_start3A_218 = tpu.memref_slice %arg3[%add3A_210, %dma_start3A_217] : memref<24576x512xf32, #tpu.memory_space<hbm>> -> memref<48x512xf32, #tpu.memory_space<hbm>>
    %dma_start3A_219 = tpu.memref_slice %arg6[%dma_start3A_212] : memref<5x!tpu.dma_semaphore, #tpu.memory_space<semaphore_mem>> -> memref<1x!tpu.dma_semaphore, #tpu.memory_space<semaphore_mem>>
    %dma_start3A_220 = tpu.memref_squeeze %dma_start3A_219 : memref<1x!tpu.dma_semaphore, #tpu.memory_space<semaphore_mem>> -> memref<!tpu.dma_semaphore, #tpu.memory_space<semaphore_mem>>
    %dma_start3A_221 = arith.constant 0 : i32
    %dma_start3A_222 = tpu.memref_slice %arg3[%add3A_210, %dma_start3A_221] : memref<24576x512xf32, #tpu.memory_space<hbm>> -> memref<48x512xf32, #tpu.memory_space<hbm>>
    %dma_start3A_223 = arith.constant 0 : i32
    %dma_start3A_224 = arith.constant 0 : i32
    %dma_start3A_225 = tpu.memref_slice %arg4[%dma_start3A_211, %dma_start3A_223, %dma_start3A_224] : memref<5x48x512xf32, #tpu.memory_space<vmem>> -> memref<1x48x512xf32, #tpu.memory_space<vmem>>
    %dma_start3A_226 = tpu.memref_squeeze %dma_start3A_225 : memref<1x48x512xf32, #tpu.memory_space<vmem>> -> memref<48x512xf32, #tpu.memory_space<vmem>>
    tpu.enqueue_dma source(%dma_start3A_226 : memref<48x512xf32, #tpu.memory_space<vmem>>) target(%dma_start3A_222 : memref<48x512xf32, #tpu.memory_space<hbm>>) target_semaphore(%dma_start3A_220 : memref<!tpu.dma_semaphore, #tpu.memory_space<semaphore_mem>>)
    %dma_wait3A_227 = arith.constant 0 : i32
    %dma_wait3A_228 = arith.constant 0 : i32
    %dma_wait3A_229 = arith.constant 0 : i32
    %dma_wait3A_230 = arith.constant 0 : i32
    %dma_wait3A_231 = tpu.memref_slice %arg4[%dma_wait3A_227, %dma_wait3A_229, %dma_wait3A_230] : memref<5x48x512xf32, #tpu.memory_space<vmem>> -> memref<1x48x512xf32, #tpu.memory_space<vmem>>
    %dma_wait3A_232 = tpu.memref_squeeze %dma_wait3A_231 : memref<1x48x512xf32, #tpu.memory_space<vmem>> -> memref<48x512xf32, #tpu.memory_space<vmem>>
    %dma_wait3A_233 = arith.constant 0 : i32
    %dma_wait3A_234 = tpu.memref_slice %arg3[%add3A_108, %dma_wait3A_233] : memref<24576x512xf32, #tpu.memory_space<hbm>> -> memref<48x512xf32, #tpu.memory_space<hbm>>
    %dma_wait3A_235 = tpu.memref_slice %arg6[%dma_wait3A_228] : memref<5x!tpu.dma_semaphore, #tpu.memory_space<semaphore_mem>> -> memref<1x!tpu.dma_semaphore, #tpu.memory_space<semaphore_mem>>
    %dma_wait3A_236 = tpu.memref_squeeze %dma_wait3A_235 : memref<1x!tpu.dma_semaphore, #tpu.memory_space<semaphore_mem>> -> memref<!tpu.dma_semaphore, #tpu.memory_space<semaphore_mem>>
    %dma_wait3A_237 = arith.constant 0 : i32
    %dma_wait3A_238 = tpu.memref_slice %arg3[%add3A_108, %dma_wait3A_237] : memref<24576x512xf32, #tpu.memory_space<hbm>> -> memref<48x512xf32, #tpu.memory_space<hbm>>
    %dma_wait3A_239 = arith.constant 0 : i32
    %dma_wait3A_240 = arith.constant 0 : i32
    %dma_wait3A_241 = tpu.memref_slice %arg4[%dma_wait3A_227, %dma_wait3A_239, %dma_wait3A_240] : memref<5x48x512xf32, #tpu.memory_space<vmem>> -> memref<1x48x512xf32, #tpu.memory_space<vmem>>
    %dma_wait3A_242 = tpu.memref_squeeze %dma_wait3A_241 : memref<1x48x512xf32, #tpu.memory_space<vmem>> -> memref<48x512xf32, #tpu.memory_space<vmem>>
    tpu.wait_dma2 semaphore(%dma_wait3A_236 : memref<!tpu.dma_semaphore, #tpu.memory_space<semaphore_mem>>) src(%dma_wait3A_242 : memref<48x512xf32, #tpu.memory_space<vmem>>) dst(%dma_wait3A_238 : memref<48x512xf32, #tpu.memory_space<hbm>>)
    %add3A_243 = arith.constant 240 : i32
    %add3A_244 = arith.addi %mul3A_2, %add3A_243 : i32
    %dma_start3A_245 = arith.constant 0 : i32
    %dma_start3A_246 = arith.constant 0 : i32
    %dma_start3A_247 = arith.constant 0 : i32
    %dma_start3A_248 = arith.constant 0 : i32
    %dma_start3A_249 = tpu.memref_slice %arg4[%dma_start3A_245, %dma_start3A_247, %dma_start3A_248] : memref<5x48x512xf32, #tpu.memory_space<vmem>> -> memref<1x48x512xf32, #tpu.memory_space<vmem>>
    %dma_start3A_250 = tpu.memref_squeeze %dma_start3A_249 : memref<1x48x512xf32, #tpu.memory_space<vmem>> -> memref<48x512xf32, #tpu.memory_space<vmem>>
    %dma_start3A_251 = arith.constant 0 : i32
    %dma_start3A_252 = tpu.memref_slice %arg2[%add3A_244, %dma_start3A_251] : memref<24576x512xf32, #tpu.memory_space<hbm>> -> memref<48x512xf32, #tpu.memory_space<hbm>>
    %dma_start3A_253 = tpu.memref_slice %arg5[%dma_start3A_246] : memref<5x!tpu.dma_semaphore, #tpu.memory_space<semaphore_mem>> -> memref<1x!tpu.dma_semaphore, #tpu.memory_space<semaphore_mem>>
    %dma_start3A_254 = tpu.memref_squeeze %dma_start3A_253 : memref<1x!tpu.dma_semaphore, #tpu.memory_space<semaphore_mem>> -> memref<!tpu.dma_semaphore, #tpu.memory_space<semaphore_mem>>
    %dma_start3A_255 = arith.constant 0 : i32
    %dma_start3A_256 = arith.constant 0 : i32
    %dma_start3A_257 = tpu.memref_slice %arg4[%dma_start3A_245, %dma_start3A_255, %dma_start3A_256] : memref<5x48x512xf32, #tpu.memory_space<vmem>> -> memref<1x48x512xf32, #tpu.memory_space<vmem>>
    %dma_start3A_258 = tpu.memref_squeeze %dma_start3A_257 : memref<1x48x512xf32, #tpu.memory_space<vmem>> -> memref<48x512xf32, #tpu.memory_space<vmem>>
    %dma_start3A_259 = arith.constant 0 : i32
    %dma_start3A_260 = tpu.memref_slice %arg2[%add3A_244, %dma_start3A_259] : memref<24576x512xf32, #tpu.memory_space<hbm>> -> memref<48x512xf32, #tpu.memory_space<hbm>>
    tpu.enqueue_dma source(%dma_start3A_260 : memref<48x512xf32, #tpu.memory_space<hbm>>) target(%dma_start3A_258 : memref<48x512xf32, #tpu.memory_space<vmem>>) target_semaphore(%dma_start3A_254 : memref<!tpu.dma_semaphore, #tpu.memory_space<semaphore_mem>>)
    %dma_wait3A_261 = arith.constant 4 : i32
    %dma_wait3A_262 = arith.constant 4 : i32
    %dma_wait3A_263 = arith.constant 0 : i32
    %dma_wait3A_264 = arith.constant 0 : i32
    %dma_wait3A_265 = tpu.memref_slice %arg4[%dma_wait3A_261, %dma_wait3A_263, %dma_wait3A_264] : memref<5x48x512xf32, #tpu.memory_space<vmem>> -> memref<1x48x512xf32, #tpu.memory_space<vmem>>
    %dma_wait3A_266 = tpu.memref_squeeze %dma_wait3A_265 : memref<1x48x512xf32, #tpu.memory_space<vmem>> -> memref<48x512xf32, #tpu.memory_space<vmem>>
    %dma_wait3A_267 = arith.constant 0 : i32
    %dma_wait3A_268 = tpu.memref_slice %arg2[%add3A_75, %dma_wait3A_267] : memref<24576x512xf32, #tpu.memory_space<hbm>> -> memref<48x512xf32, #tpu.memory_space<hbm>>
    %dma_wait3A_269 = tpu.memref_slice %arg5[%dma_wait3A_262] : memref<5x!tpu.dma_semaphore, #tpu.memory_space<semaphore_mem>> -> memref<1x!tpu.dma_semaphore, #tpu.memory_space<semaphore_mem>>
    %dma_wait3A_270 = tpu.memref_squeeze %dma_wait3A_269 : memref<1x!tpu.dma_semaphore, #tpu.memory_space<semaphore_mem>> -> memref<!tpu.dma_semaphore, #tpu.memory_space<semaphore_mem>>
    %dma_wait3A_271 = arith.constant 0 : i32
    %dma_wait3A_272 = arith.constant 0 : i32
    %dma_wait3A_273 = tpu.memref_slice %arg4[%dma_wait3A_261, %dma_wait3A_271, %dma_wait3A_272] : memref<5x48x512xf32, #tpu.memory_space<vmem>> -> memref<1x48x512xf32, #tpu.memory_space<vmem>>
    %dma_wait3A_274 = tpu.memref_squeeze %dma_wait3A_273 : memref<1x48x512xf32, #tpu.memory_space<vmem>> -> memref<48x512xf32, #tpu.memory_space<vmem>>
    %dma_wait3A_275 = arith.constant 0 : i32
    %dma_wait3A_276 = tpu.memref_slice %arg2[%add3A_75, %dma_wait3A_275] : memref<24576x512xf32, #tpu.memory_space<hbm>> -> memref<48x512xf32, #tpu.memory_space<hbm>>
    tpu.wait_dma2 semaphore(%dma_wait3A_270 : memref<!tpu.dma_semaphore, #tpu.memory_space<semaphore_mem>>) src(%dma_wait3A_276 : memref<48x512xf32, #tpu.memory_space<hbm>>) dst(%dma_wait3A_274 : memref<48x512xf32, #tpu.memory_space<vmem>>)
    %add3A_277 = arith.constant 192 : i32
    %add3A_278 = arith.addi %mul3A_2, %add3A_277 : i32
    %dma_start3A_279 = arith.constant 4 : i32
    %dma_start3A_280 = arith.constant 4 : i32
    %dma_start3A_281 = arith.constant 0 : i32
    %dma_start3A_282 = arith.constant 0 : i32
    %dma_start3A_283 = tpu.memref_slice %arg4[%dma_start3A_279, %dma_start3A_281, %dma_start3A_282] : memref<5x48x512xf32, #tpu.memory_space<vmem>> -> memref<1x48x512xf32, #tpu.memory_space<vmem>>
    %dma_start3A_284 = tpu.memref_squeeze %dma_start3A_283 : memref<1x48x512xf32, #tpu.memory_space<vmem>> -> memref<48x512xf32, #tpu.memory_space<vmem>>
    %dma_start3A_285 = arith.constant 0 : i32
    %dma_start3A_286 = tpu.memref_slice %arg3[%add3A_278, %dma_start3A_285] : memref<24576x512xf32, #tpu.memory_space<hbm>> -> memref<48x512xf32, #tpu.memory_space<hbm>>
    %dma_start3A_287 = tpu.memref_slice %arg6[%dma_start3A_280] : memref<5x!tpu.dma_semaphore, #tpu.memory_space<semaphore_mem>> -> memref<1x!tpu.dma_semaphore, #tpu.memory_space<semaphore_mem>>
    %dma_start3A_288 = tpu.memref_squeeze %dma_start3A_287 : memref<1x!tpu.dma_semaphore, #tpu.memory_space<semaphore_mem>> -> memref<!tpu.dma_semaphore, #tpu.memory_space<semaphore_mem>>
    %dma_start3A_289 = arith.constant 0 : i32
    %dma_start3A_290 = tpu.memref_slice %arg3[%add3A_278, %dma_start3A_289] : memref<24576x512xf32, #tpu.memory_space<hbm>> -> memref<48x512xf32, #tpu.memory_space<hbm>>
    %dma_start3A_291 = arith.constant 0 : i32
    %dma_start3A_292 = arith.constant 0 : i32
    %dma_start3A_293 = tpu.memref_slice %arg4[%dma_start3A_279, %dma_start3A_291, %dma_start3A_292] : memref<5x48x512xf32, #tpu.memory_space<vmem>> -> memref<1x48x512xf32, #tpu.memory_space<vmem>>
    %dma_start3A_294 = tpu.memref_squeeze %dma_start3A_293 : memref<1x48x512xf32, #tpu.memory_space<vmem>> -> memref<48x512xf32, #tpu.memory_space<vmem>>
    tpu.enqueue_dma source(%dma_start3A_294 : memref<48x512xf32, #tpu.memory_space<vmem>>) target(%dma_start3A_290 : memref<48x512xf32, #tpu.memory_space<hbm>>) target_semaphore(%dma_start3A_288 : memref<!tpu.dma_semaphore, #tpu.memory_space<semaphore_mem>>)
    %dma_wait3A_295 = arith.constant 1 : i32
    %dma_wait3A_296 = arith.constant 1 : i32
    %dma_wait3A_297 = arith.constant 0 : i32
    %dma_wait3A_298 = arith.constant 0 : i32
    %dma_wait3A_299 = tpu.memref_slice %arg4[%dma_wait3A_295, %dma_wait3A_297, %dma_wait3A_298] : memref<5x48x512xf32, #tpu.memory_space<vmem>> -> memref<1x48x512xf32, #tpu.memory_space<vmem>>
    %dma_wait3A_300 = tpu.memref_squeeze %dma_wait3A_299 : memref<1x48x512xf32, #tpu.memory_space<vmem>> -> memref<48x512xf32, #tpu.memory_space<vmem>>
    %dma_wait3A_301 = arith.constant 0 : i32
    %dma_wait3A_302 = tpu.memref_slice %arg3[%add3A_142, %dma_wait3A_301] : memref<24576x512xf32, #tpu.memory_space<hbm>> -> memref<48x512xf32, #tpu.memory_space<hbm>>
    %dma_wait3A_303 = tpu.memref_slice %arg6[%dma_wait3A_296] : memref<5x!tpu.dma_semaphore, #tpu.memory_space<semaphore_mem>> -> memref<1x!tpu.dma_semaphore, #tpu.memory_space<semaphore_mem>>
    %dma_wait3A_304 = tpu.memref_squeeze %dma_wait3A_303 : memref<1x!tpu.dma_semaphore, #tpu.memory_space<semaphore_mem>> -> memref<!tpu.dma_semaphore, #tpu.memory_space<semaphore_mem>>
    %dma_wait3A_305 = arith.constant 0 : i32
    %dma_wait3A_306 = tpu.memref_slice %arg3[%add3A_142, %dma_wait3A_305] : memref<24576x512xf32, #tpu.memory_space<hbm>> -> memref<48x512xf32, #tpu.memory_space<hbm>>
    %dma_wait3A_307 = arith.constant 0 : i32
    %dma_wait3A_308 = arith.constant 0 : i32
    %dma_wait3A_309 = tpu.memref_slice %arg4[%dma_wait3A_295, %dma_wait3A_307, %dma_wait3A_308] : memref<5x48x512xf32, #tpu.memory_space<vmem>> -> memref<1x48x512xf32, #tpu.memory_space<vmem>>
    %dma_wait3A_310 = tpu.memref_squeeze %dma_wait3A_309 : memref<1x48x512xf32, #tpu.memory_space<vmem>> -> memref<48x512xf32, #tpu.memory_space<vmem>>
    tpu.wait_dma2 semaphore(%dma_wait3A_304 : memref<!tpu.dma_semaphore, #tpu.memory_space<semaphore_mem>>) src(%dma_wait3A_310 : memref<48x512xf32, #tpu.memory_space<vmem>>) dst(%dma_wait3A_306 : memref<48x512xf32, #tpu.memory_space<hbm>>)
    %add3A_311 = arith.constant 288 : i32
    %add3A_312 = arith.addi %mul3A_2, %add3A_311 : i32
    %dma_start3A_313 = arith.constant 1 : i32
    %dma_start3A_314 = arith.constant 1 : i32
    %dma_start3A_315 = arith.constant 0 : i32
    %dma_start3A_316 = arith.constant 0 : i32
    %dma_start3A_317 = tpu.memref_slice %arg4[%dma_start3A_313, %dma_start3A_315, %dma_start3A_316] : memref<5x48x512xf32, #tpu.memory_space<vmem>> -> memref<1x48x512xf32, #tpu.memory_space<vmem>>
    %dma_start3A_318 = tpu.memref_squeeze %dma_start3A_317 : memref<1x48x512xf32, #tpu.memory_space<vmem>> -> memref<48x512xf32, #tpu.memory_space<vmem>>
    %dma_start3A_319 = arith.constant 0 : i32
    %dma_start3A_320 = tpu.memref_slice %arg2[%add3A_312, %dma_start3A_319] : memref<24576x512xf32, #tpu.memory_space<hbm>> -> memref<48x512xf32, #tpu.memory_space<hbm>>
    %dma_start3A_321 = tpu.memref_slice %arg5[%dma_start3A_314] : memref<5x!tpu.dma_semaphore, #tpu.memory_space<semaphore_mem>> -> memref<1x!tpu.dma_semaphore, #tpu.memory_space<semaphore_mem>>
    %dma_start3A_322 = tpu.memref_squeeze %dma_start3A_321 : memref<1x!tpu.dma_semaphore, #tpu.memory_space<semaphore_mem>> -> memref<!tpu.dma_semaphore, #tpu.memory_space<semaphore_mem>>
    %dma_start3A_323 = arith.constant 0 : i32
    %dma_start3A_324 = arith.constant 0 : i32
    %dma_start3A_325 = tpu.memref_slice %arg4[%dma_start3A_313, %dma_start3A_323, %dma_start3A_324] : memref<5x48x512xf32, #tpu.memory_space<vmem>> -> memref<1x48x512xf32, #tpu.memory_space<vmem>>
    %dma_start3A_326 = tpu.memref_squeeze %dma_start3A_325 : memref<1x48x512xf32, #tpu.memory_space<vmem>> -> memref<48x512xf32, #tpu.memory_space<vmem>>
    %dma_start3A_327 = arith.constant 0 : i32
    %dma_start3A_328 = tpu.memref_slice %arg2[%add3A_312, %dma_start3A_327] : memref<24576x512xf32, #tpu.memory_space<hbm>> -> memref<48x512xf32, #tpu.memory_space<hbm>>
    tpu.enqueue_dma source(%dma_start3A_328 : memref<48x512xf32, #tpu.memory_space<hbm>>) target(%dma_start3A_326 : memref<48x512xf32, #tpu.memory_space<vmem>>) target_semaphore(%dma_start3A_322 : memref<!tpu.dma_semaphore, #tpu.memory_space<semaphore_mem>>)
    %dma_wait3A_329 = arith.constant 0 : i32
    %dma_wait3A_330 = arith.constant 0 : i32
    %dma_wait3A_331 = arith.constant 0 : i32
    %dma_wait3A_332 = arith.constant 0 : i32
    %dma_wait3A_333 = tpu.memref_slice %arg4[%dma_wait3A_329, %dma_wait3A_331, %dma_wait3A_332] : memref<5x48x512xf32, #tpu.memory_space<vmem>> -> memref<1x48x512xf32, #tpu.memory_space<vmem>>
    %dma_wait3A_334 = tpu.memref_squeeze %dma_wait3A_333 : memref<1x48x512xf32, #tpu.memory_space<vmem>> -> memref<48x512xf32, #tpu.memory_space<vmem>>
    %dma_wait3A_335 = arith.constant 0 : i32
    %dma_wait3A_336 = tpu.memref_slice %arg2[%add3A_244, %dma_wait3A_335] : memref<24576x512xf32, #tpu.memory_space<hbm>> -> memref<48x512xf32, #tpu.memory_space<hbm>>
    %dma_wait3A_337 = tpu.memref_slice %arg5[%dma_wait3A_330] : memref<5x!tpu.dma_semaphore, #tpu.memory_space<semaphore_mem>> -> memref<1x!tpu.dma_semaphore, #tpu.memory_space<semaphore_mem>>
    %dma_wait3A_338 = tpu.memref_squeeze %dma_wait3A_337 : memref<1x!tpu.dma_semaphore, #tpu.memory_space<semaphore_mem>> -> memref<!tpu.dma_semaphore, #tpu.memory_space<semaphore_mem>>
    %dma_wait3A_339 = arith.constant 0 : i32
    %dma_wait3A_340 = arith.constant 0 : i32
    %dma_wait3A_341 = tpu.memref_slice %arg4[%dma_wait3A_329, %dma_wait3A_339, %dma_wait3A_340] : memref<5x48x512xf32, #tpu.memory_space<vmem>> -> memref<1x48x512xf32, #tpu.memory_space<vmem>>
    %dma_wait3A_342 = tpu.memref_squeeze %dma_wait3A_341 : memref<1x48x512xf32, #tpu.memory_space<vmem>> -> memref<48x512xf32, #tpu.memory_space<vmem>>
    %dma_wait3A_343 = arith.constant 0 : i32
    %dma_wait3A_344 = tpu.memref_slice %arg2[%add3A_244, %dma_wait3A_343] : memref<24576x512xf32, #tpu.memory_space<hbm>> -> memref<48x512xf32, #tpu.memory_space<hbm>>
    tpu.wait_dma2 semaphore(%dma_wait3A_338 : memref<!tpu.dma_semaphore, #tpu.memory_space<semaphore_mem>>) src(%dma_wait3A_344 : memref<48x512xf32, #tpu.memory_space<hbm>>) dst(%dma_wait3A_342 : memref<48x512xf32, #tpu.memory_space<vmem>>)
    %add3A_345 = arith.constant 240 : i32
    %add3A_346 = arith.addi %mul3A_2, %add3A_345 : i32
    %dma_start3A_347 = arith.constant 0 : i32
    %dma_start3A_348 = arith.constant 0 : i32
    %dma_start3A_349 = arith.constant 0 : i32
    %dma_start3A_350 = arith.constant 0 : i32
    %dma_start3A_351 = tpu.memref_slice %arg4[%dma_start3A_347, %dma_start3A_349, %dma_start3A_350] : memref<5x48x512xf32, #tpu.memory_space<vmem>> -> memref<1x48x512xf32, #tpu.memory_space<vmem>>
    %dma_start3A_352 = tpu.memref_squeeze %dma_start3A_351 : memref<1x48x512xf32, #tpu.memory_space<vmem>> -> memref<48x512xf32, #tpu.memory_space<vmem>>
    %dma_start3A_353 = arith.constant 0 : i32
    %dma_start3A_354 = tpu.memref_slice %arg3[%add3A_346, %dma_start3A_353] : memref<24576x512xf32, #tpu.memory_space<hbm>> -> memref<48x512xf32, #tpu.memory_space<hbm>>
    %dma_start3A_355 = tpu.memref_slice %arg6[%dma_start3A_348] : memref<5x!tpu.dma_semaphore, #tpu.memory_space<semaphore_mem>> -> memref<1x!tpu.dma_semaphore, #tpu.memory_space<semaphore_mem>>
    %dma_start3A_356 = tpu.memref_squeeze %dma_start3A_355 : memref<1x!tpu.dma_semaphore, #tpu.memory_space<semaphore_mem>> -> memref<!tpu.dma_semaphore, #tpu.memory_space<semaphore_mem>>
    %dma_start3A_357 = arith.constant 0 : i32
    %dma_start3A_358 = tpu.memref_slice %arg3[%add3A_346, %dma_start3A_357] : memref<24576x512xf32, #tpu.memory_space<hbm>> -> memref<48x512xf32, #tpu.memory_space<hbm>>
    %dma_start3A_359 = arith.constant 0 : i32
    %dma_start3A_360 = arith.constant 0 : i32
    %dma_start3A_361 = tpu.memref_slice %arg4[%dma_start3A_347, %dma_start3A_359, %dma_start3A_360] : memref<5x48x512xf32, #tpu.memory_space<vmem>> -> memref<1x48x512xf32, #tpu.memory_space<vmem>>
    %dma_start3A_362 = tpu.memref_squeeze %dma_start3A_361 : memref<1x48x512xf32, #tpu.memory_space<vmem>> -> memref<48x512xf32, #tpu.memory_space<vmem>>
    tpu.enqueue_dma source(%dma_start3A_362 : memref<48x512xf32, #tpu.memory_space<vmem>>) target(%dma_start3A_358 : memref<48x512xf32, #tpu.memory_space<hbm>>) target_semaphore(%dma_start3A_356 : memref<!tpu.dma_semaphore, #tpu.memory_space<semaphore_mem>>)
    %dma_wait3A_363 = arith.constant 2 : i32
    %dma_wait3A_364 = arith.constant 2 : i32
    %dma_wait3A_365 = arith.constant 0 : i32
    %dma_wait3A_366 = arith.constant 0 : i32
    %dma_wait3A_367 = tpu.memref_slice %arg4[%dma_wait3A_363, %dma_wait3A_365, %dma_wait3A_366] : memref<5x48x512xf32, #tpu.memory_space<vmem>> -> memref<1x48x512xf32, #tpu.memory_space<vmem>>
    %dma_wait3A_368 = tpu.memref_squeeze %dma_wait3A_367 : memref<1x48x512xf32, #tpu.memory_space<vmem>> -> memref<48x512xf32, #tpu.memory_space<vmem>>
    %dma_wait3A_369 = arith.constant 0 : i32
    %dma_wait3A_370 = tpu.memref_slice %arg3[%add3A_176, %dma_wait3A_369] : memref<24576x512xf32, #tpu.memory_space<hbm>> -> memref<48x512xf32, #tpu.memory_space<hbm>>
    %dma_wait3A_371 = tpu.memref_slice %arg6[%dma_wait3A_364] : memref<5x!tpu.dma_semaphore, #tpu.memory_space<semaphore_mem>> -> memref<1x!tpu.dma_semaphore, #tpu.memory_space<semaphore_mem>>
    %dma_wait3A_372 = tpu.memref_squeeze %dma_wait3A_371 : memref<1x!tpu.dma_semaphore, #tpu.memory_space<semaphore_mem>> -> memref<!tpu.dma_semaphore, #tpu.memory_space<semaphore_mem>>
    %dma_wait3A_373 = arith.constant 0 : i32
    %dma_wait3A_374 = tpu.memref_slice %arg3[%add3A_176, %dma_wait3A_373] : memref<24576x512xf32, #tpu.memory_space<hbm>> -> memref<48x512xf32, #tpu.memory_space<hbm>>
    %dma_wait3A_375 = arith.constant 0 : i32
    %dma_wait3A_376 = arith.constant 0 : i32
    %dma_wait3A_377 = tpu.memref_slice %arg4[%dma_wait3A_363, %dma_wait3A_375, %dma_wait3A_376] : memref<5x48x512xf32, #tpu.memory_space<vmem>> -> memref<1x48x512xf32, #tpu.memory_space<vmem>>
    %dma_wait3A_378 = tpu.memref_squeeze %dma_wait3A_377 : memref<1x48x512xf32, #tpu.memory_space<vmem>> -> memref<48x512xf32, #tpu.memory_space<vmem>>
    tpu.wait_dma2 semaphore(%dma_wait3A_372 : memref<!tpu.dma_semaphore, #tpu.memory_space<semaphore_mem>>) src(%dma_wait3A_378 : memref<48x512xf32, #tpu.memory_space<vmem>>) dst(%dma_wait3A_374 : memref<48x512xf32, #tpu.memory_space<hbm>>)
    %add3A_379 = arith.constant 336 : i32
    %add3A_380 = arith.addi %mul3A_2, %add3A_379 : i32
    %dma_start3A_381 = arith.constant 2 : i32
    %dma_start3A_382 = arith.constant 2 : i32
    %dma_start3A_383 = arith.constant 0 : i32
    %dma_start3A_384 = arith.constant 0 : i32
    %dma_start3A_385 = tpu.memref_slice %arg4[%dma_start3A_381, %dma_start3A_383, %dma_start3A_384] : memref<5x48x512xf32, #tpu.memory_space<vmem>> -> memref<1x48x512xf32, #tpu.memory_space<vmem>>
    %dma_start3A_386 = tpu.memref_squeeze %dma_start3A_385 : memref<1x48x512xf32, #tpu.memory_space<vmem>> -> memref<48x512xf32, #tpu.memory_space<vmem>>
    %dma_start3A_387 = arith.constant 0 : i32
    %dma_start3A_388 = tpu.memref_slice %arg2[%add3A_380, %dma_start3A_387] : memref<24576x512xf32, #tpu.memory_space<hbm>> -> memref<48x512xf32, #tpu.memory_space<hbm>>
    %dma_start3A_389 = tpu.memref_slice %arg5[%dma_start3A_382] : memref<5x!tpu.dma_semaphore, #tpu.memory_space<semaphore_mem>> -> memref<1x!tpu.dma_semaphore, #tpu.memory_space<semaphore_mem>>
    %dma_start3A_390 = tpu.memref_squeeze %dma_start3A_389 : memref<1x!tpu.dma_semaphore, #tpu.memory_space<semaphore_mem>> -> memref<!tpu.dma_semaphore, #tpu.memory_space<semaphore_mem>>
    %dma_start3A_391 = arith.constant 0 : i32
    %dma_start3A_392 = arith.constant 0 : i32
    %dma_start3A_393 = tpu.memref_slice %arg4[%dma_start3A_381, %dma_start3A_391, %dma_start3A_392] : memref<5x48x512xf32, #tpu.memory_space<vmem>> -> memref<1x48x512xf32, #tpu.memory_space<vmem>>
    %dma_start3A_394 = tpu.memref_squeeze %dma_start3A_393 : memref<1x48x512xf32, #tpu.memory_space<vmem>> -> memref<48x512xf32, #tpu.memory_space<vmem>>
    %dma_start3A_395 = arith.constant 0 : i32
    %dma_start3A_396 = tpu.memref_slice %arg2[%add3A_380, %dma_start3A_395] : memref<24576x512xf32, #tpu.memory_space<hbm>> -> memref<48x512xf32, #tpu.memory_space<hbm>>
    tpu.enqueue_dma source(%dma_start3A_396 : memref<48x512xf32, #tpu.memory_space<hbm>>) target(%dma_start3A_394 : memref<48x512xf32, #tpu.memory_space<vmem>>) target_semaphore(%dma_start3A_390 : memref<!tpu.dma_semaphore, #tpu.memory_space<semaphore_mem>>)
    %dma_wait3A_397 = arith.constant 1 : i32
    %dma_wait3A_398 = arith.constant 1 : i32
    %dma_wait3A_399 = arith.constant 0 : i32
    %dma_wait3A_400 = arith.constant 0 : i32
    %dma_wait3A_401 = tpu.memref_slice %arg4[%dma_wait3A_397, %dma_wait3A_399, %dma_wait3A_400] : memref<5x48x512xf32, #tpu.memory_space<vmem>> -> memref<1x48x512xf32, #tpu.memory_space<vmem>>
    %dma_wait3A_402 = tpu.memref_squeeze %dma_wait3A_401 : memref<1x48x512xf32, #tpu.memory_space<vmem>> -> memref<48x512xf32, #tpu.memory_space<vmem>>
    %dma_wait3A_403 = arith.constant 0 : i32
    %dma_wait3A_404 = tpu.memref_slice %arg2[%add3A_312, %dma_wait3A_403] : memref<24576x512xf32, #tpu.memory_space<hbm>> -> memref<48x512xf32, #tpu.memory_space<hbm>>
    %dma_wait3A_405 = tpu.memref_slice %arg5[%dma_wait3A_398] : memref<5x!tpu.dma_semaphore, #tpu.memory_space<semaphore_mem>> -> memref<1x!tpu.dma_semaphore, #tpu.memory_space<semaphore_mem>>
    %dma_wait3A_406 = tpu.memref_squeeze %dma_wait3A_405 : memref<1x!tpu.dma_semaphore, #tpu.memory_space<semaphore_mem>> -> memref<!tpu.dma_semaphore, #tpu.memory_space<semaphore_mem>>
    %dma_wait3A_407 = arith.constant 0 : i32
    %dma_wait3A_408 = arith.constant 0 : i32
    %dma_wait3A_409 = tpu.memref_slice %arg4[%dma_wait3A_397, %dma_wait3A_407, %dma_wait3A_408] : memref<5x48x512xf32, #tpu.memory_space<vmem>> -> memref<1x48x512xf32, #tpu.memory_space<vmem>>
    %dma_wait3A_410 = tpu.memref_squeeze %dma_wait3A_409 : memref<1x48x512xf32, #tpu.memory_space<vmem>> -> memref<48x512xf32, #tpu.memory_space<vmem>>
    %dma_wait3A_411 = arith.constant 0 : i32
    %dma_wait3A_412 = tpu.memref_slice %arg2[%add3A_312, %dma_wait3A_411] : memref<24576x512xf32, #tpu.memory_space<hbm>> -> memref<48x512xf32, #tpu.memory_space<hbm>>
    tpu.wait_dma2 semaphore(%dma_wait3A_406 : memref<!tpu.dma_semaphore, #tpu.memory_space<semaphore_mem>>) src(%dma_wait3A_412 : memref<48x512xf32, #tpu.memory_space<hbm>>) dst(%dma_wait3A_410 : memref<48x512xf32, #tpu.memory_space<vmem>>)
    %add3A_413 = arith.constant 288 : i32
    %add3A_414 = arith.addi %mul3A_2, %add3A_413 : i32
    %dma_start3A_415 = arith.constant 1 : i32
    %dma_start3A_416 = arith.constant 1 : i32
    %dma_start3A_417 = arith.constant 0 : i32
    %dma_start3A_418 = arith.constant 0 : i32
    %dma_start3A_419 = tpu.memref_slice %arg4[%dma_start3A_415, %dma_start3A_417, %dma_start3A_418] : memref<5x48x512xf32, #tpu.memory_space<vmem>> -> memref<1x48x512xf32, #tpu.memory_space<vmem>>
    %dma_start3A_420 = tpu.memref_squeeze %dma_start3A_419 : memref<1x48x512xf32, #tpu.memory_space<vmem>> -> memref<48x512xf32, #tpu.memory_space<vmem>>
    %dma_start3A_421 = arith.constant 0 : i32
    %dma_start3A_422 = tpu.memref_slice %arg3[%add3A_414, %dma_start3A_421] : memref<24576x512xf32, #tpu.memory_space<hbm>> -> memref<48x512xf32, #tpu.memory_space<hbm>>
    %dma_start3A_423 = tpu.memref_slice %arg6[%dma_start3A_416] : memref<5x!tpu.dma_semaphore, #tpu.memory_space<semaphore_mem>> -> memref<1x!tpu.dma_semaphore, #tpu.memory_space<semaphore_mem>>
    %dma_start3A_424 = tpu.memref_squeeze %dma_start3A_423 : memref<1x!tpu.dma_semaphore, #tpu.memory_space<semaphore_mem>> -> memref<!tpu.dma_semaphore, #tpu.memory_space<semaphore_mem>>
    %dma_start3A_425 = arith.constant 0 : i32
    %dma_start3A_426 = tpu.memref_slice %arg3[%add3A_414, %dma_start3A_425] : memref<24576x512xf32, #tpu.memory_space<hbm>> -> memref<48x512xf32, #tpu.memory_space<hbm>>
    %dma_start3A_427 = arith.constant 0 : i32
    %dma_start3A_428 = arith.constant 0 : i32
    %dma_start3A_429 = tpu.memref_slice %arg4[%dma_start3A_415, %dma_start3A_427, %dma_start3A_428] : memref<5x48x512xf32, #tpu.memory_space<vmem>> -> memref<1x48x512xf32, #tpu.memory_space<vmem>>
    %dma_start3A_430 = tpu.memref_squeeze %dma_start3A_429 : memref<1x48x512xf32, #tpu.memory_space<vmem>> -> memref<48x512xf32, #tpu.memory_space<vmem>>
    tpu.enqueue_dma source(%dma_start3A_430 : memref<48x512xf32, #tpu.memory_space<vmem>>) target(%dma_start3A_426 : memref<48x512xf32, #tpu.memory_space<hbm>>) target_semaphore(%dma_start3A_424 : memref<!tpu.dma_semaphore, #tpu.memory_space<semaphore_mem>>)
    %dma_wait3A_431 = arith.constant 2 : i32
    %dma_wait3A_432 = arith.constant 2 : i32
    %dma_wait3A_433 = arith.constant 0 : i32
    %dma_wait3A_434 = arith.constant 0 : i32
    %dma_wait3A_435 = tpu.memref_slice %arg4[%dma_wait3A_431, %dma_wait3A_433, %dma_wait3A_434] : memref<5x48x512xf32, #tpu.memory_space<vmem>> -> memref<1x48x512xf32, #tpu.memory_space<vmem>>
    %dma_wait3A_436 = tpu.memref_squeeze %dma_wait3A_435 : memref<1x48x512xf32, #tpu.memory_space<vmem>> -> memref<48x512xf32, #tpu.memory_space<vmem>>
    %dma_wait3A_437 = arith.constant 0 : i32
    %dma_wait3A_438 = tpu.memref_slice %arg2[%add3A_380, %dma_wait3A_437] : memref<24576x512xf32, #tpu.memory_space<hbm>> -> memref<48x512xf32, #tpu.memory_space<hbm>>
    %dma_wait3A_439 = tpu.memref_slice %arg5[%dma_wait3A_432] : memref<5x!tpu.dma_semaphore, #tpu.memory_space<semaphore_mem>> -> memref<1x!tpu.dma_semaphore, #tpu.memory_space<semaphore_mem>>
    %dma_wait3A_440 = tpu.memref_squeeze %dma_wait3A_439 : memref<1x!tpu.dma_semaphore, #tpu.memory_space<semaphore_mem>> -> memref<!tpu.dma_semaphore, #tpu.memory_space<semaphore_mem>>
    %dma_wait3A_441 = arith.constant 0 : i32
    %dma_wait3A_442 = arith.constant 0 : i32
    %dma_wait3A_443 = tpu.memref_slice %arg4[%dma_wait3A_431, %dma_wait3A_441, %dma_wait3A_442] : memref<5x48x512xf32, #tpu.memory_space<vmem>> -> memref<1x48x512xf32, #tpu.memory_space<vmem>>
    %dma_wait3A_444 = tpu.memref_squeeze %dma_wait3A_443 : memref<1x48x512xf32, #tpu.memory_space<vmem>> -> memref<48x512xf32, #tpu.memory_space<vmem>>
    %dma_wait3A_445 = arith.constant 0 : i32
    %dma_wait3A_446 = tpu.memref_slice %arg2[%add3A_380, %dma_wait3A_445] : memref<24576x512xf32, #tpu.memory_space<hbm>> -> memref<48x512xf32, #tpu.memory_space<hbm>>
    tpu.wait_dma2 semaphore(%dma_wait3A_440 : memref<!tpu.dma_semaphore, #tpu.memory_space<semaphore_mem>>) src(%dma_wait3A_446 : memref<48x512xf32, #tpu.memory_space<hbm>>) dst(%dma_wait3A_444 : memref<48x512xf32, #tpu.memory_space<vmem>>)
    %add3A_447 = arith.constant 336 : i32
    %add3A_448 = arith.addi %mul3A_2, %add3A_447 : i32
    %dma_start3A_449 = arith.constant 2 : i32
    %dma_start3A_450 = arith.constant 2 : i32
    %dma_start3A_451 = arith.constant 0 : i32
    %dma_start3A_452 = arith.constant 0 : i32
    %dma_start3A_453 = tpu.memref_slice %arg4[%dma_start3A_449, %dma_start3A_451, %dma_start3A_452] : memref<5x48x512xf32, #tpu.memory_space<vmem>> -> memref<1x48x512xf32, #tpu.memory_space<vmem>>
    %dma_start3A_454 = tpu.memref_squeeze %dma_start3A_453 : memref<1x48x512xf32, #tpu.memory_space<vmem>> -> memref<48x512xf32, #tpu.memory_space<vmem>>
    %dma_start3A_455 = arith.constant 0 : i32
    %dma_start3A_456 = tpu.memref_slice %arg3[%add3A_448, %dma_start3A_455] : memref<24576x512xf32, #tpu.memory_space<hbm>> -> memref<48x512xf32, #tpu.memory_space<hbm>>
    %dma_start3A_457 = tpu.memref_slice %arg6[%dma_start3A_450] : memref<5x!tpu.dma_semaphore, #tpu.memory_space<semaphore_mem>> -> memref<1x!tpu.dma_semaphore, #tpu.memory_space<semaphore_mem>>
    %dma_start3A_458 = tpu.memref_squeeze %dma_start3A_457 : memref<1x!tpu.dma_semaphore, #tpu.memory_space<semaphore_mem>> -> memref<!tpu.dma_semaphore, #tpu.memory_space<semaphore_mem>>
    %dma_start3A_459 = arith.constant 0 : i32
    %dma_start3A_460 = tpu.memref_slice %arg3[%add3A_448, %dma_start3A_459] : memref<24576x512xf32, #tpu.memory_space<hbm>> -> memref<48x512xf32, #tpu.memory_space<hbm>>
    %dma_start3A_461 = arith.constant 0 : i32
    %dma_start3A_462 = arith.constant 0 : i32
    %dma_start3A_463 = tpu.memref_slice %arg4[%dma_start3A_449, %dma_start3A_461, %dma_start3A_462] : memref<5x48x512xf32, #tpu.memory_space<vmem>> -> memref<1x48x512xf32, #tpu.memory_space<vmem>>
    %dma_start3A_464 = tpu.memref_squeeze %dma_start3A_463 : memref<1x48x512xf32, #tpu.memory_space<vmem>> -> memref<48x512xf32, #tpu.memory_space<vmem>>
    tpu.enqueue_dma source(%dma_start3A_464 : memref<48x512xf32, #tpu.memory_space<vmem>>) target(%dma_start3A_460 : memref<48x512xf32, #tpu.memory_space<hbm>>) target_semaphore(%dma_start3A_458 : memref<!tpu.dma_semaphore, #tpu.memory_space<semaphore_mem>>)
    %dma_wait3A_465 = arith.constant 3 : i32
    %dma_wait3A_466 = arith.constant 3 : i32
    %dma_wait3A_467 = arith.constant 0 : i32
    %dma_wait3A_468 = arith.constant 0 : i32
    %dma_wait3A_469 = tpu.memref_slice %arg4[%dma_wait3A_465, %dma_wait3A_467, %dma_wait3A_468] : memref<5x48x512xf32, #tpu.memory_space<vmem>> -> memref<1x48x512xf32, #tpu.memory_space<vmem>>
    %dma_wait3A_470 = tpu.memref_squeeze %dma_wait3A_469 : memref<1x48x512xf32, #tpu.memory_space<vmem>> -> memref<48x512xf32, #tpu.memory_space<vmem>>
    %dma_wait3A_471 = arith.constant 0 : i32
    %dma_wait3A_472 = tpu.memref_slice %arg3[%add3A_210, %dma_wait3A_471] : memref<24576x512xf32, #tpu.memory_space<hbm>> -> memref<48x512xf32, #tpu.memory_space<hbm>>
    %dma_wait3A_473 = tpu.memref_slice %arg6[%dma_wait3A_466] : memref<5x!tpu.dma_semaphore, #tpu.memory_space<semaphore_mem>> -> memref<1x!tpu.dma_semaphore, #tpu.memory_space<semaphore_mem>>
    %dma_wait3A_474 = tpu.memref_squeeze %dma_wait3A_473 : memref<1x!tpu.dma_semaphore, #tpu.memory_space<semaphore_mem>> -> memref<!tpu.dma_semaphore, #tpu.memory_space<semaphore_mem>>
    %dma_wait3A_475 = arith.constant 0 : i32
    %dma_wait3A_476 = tpu.memref_slice %arg3[%add3A_210, %dma_wait3A_475] : memref<24576x512xf32, #tpu.memory_space<hbm>> -> memref<48x512xf32, #tpu.memory_space<hbm>>
    %dma_wait3A_477 = arith.constant 0 : i32
    %dma_wait3A_478 = arith.constant 0 : i32
    %dma_wait3A_479 = tpu.memref_slice %arg4[%dma_wait3A_465, %dma_wait3A_477, %dma_wait3A_478] : memref<5x48x512xf32, #tpu.memory_space<vmem>> -> memref<1x48x512xf32, #tpu.memory_space<vmem>>
    %dma_wait3A_480 = tpu.memref_squeeze %dma_wait3A_479 : memref<1x48x512xf32, #tpu.memory_space<vmem>> -> memref<48x512xf32, #tpu.memory_space<vmem>>
    tpu.wait_dma2 semaphore(%dma_wait3A_474 : memref<!tpu.dma_semaphore, #tpu.memory_space<semaphore_mem>>) src(%dma_wait3A_480 : memref<48x512xf32, #tpu.memory_space<vmem>>) dst(%dma_wait3A_476 : memref<48x512xf32, #tpu.memory_space<hbm>>)
    %dma_wait3A_481 = arith.constant 4 : i32
    %dma_wait3A_482 = arith.constant 4 : i32
    %dma_wait3A_483 = arith.constant 0 : i32
    %dma_wait3A_484 = arith.constant 0 : i32
    %dma_wait3A_485 = tpu.memref_slice %arg4[%dma_wait3A_481, %dma_wait3A_483, %dma_wait3A_484] : memref<5x48x512xf32, #tpu.memory_space<vmem>> -> memref<1x48x512xf32, #tpu.memory_space<vmem>>
    %dma_wait3A_486 = tpu.memref_squeeze %dma_wait3A_485 : memref<1x48x512xf32, #tpu.memory_space<vmem>> -> memref<48x512xf32, #tpu.memory_space<vmem>>
    %dma_wait3A_487 = arith.constant 0 : i32
    %dma_wait3A_488 = tpu.memref_slice %arg3[%add3A_278, %dma_wait3A_487] : memref<24576x512xf32, #tpu.memory_space<hbm>> -> memref<48x512xf32, #tpu.memory_space<hbm>>
    %dma_wait3A_489 = tpu.memref_slice %arg6[%dma_wait3A_482] : memref<5x!tpu.dma_semaphore, #tpu.memory_space<semaphore_mem>> -> memref<1x!tpu.dma_semaphore, #tpu.memory_space<semaphore_mem>>
    %dma_wait3A_490 = tpu.memref_squeeze %dma_wait3A_489 : memref<1x!tpu.dma_semaphore, #tpu.memory_space<semaphore_mem>> -> memref<!tpu.dma_semaphore, #tpu.memory_space<semaphore_mem>>
    %dma_wait3A_491 = arith.constant 0 : i32
    %dma_wait3A_492 = tpu.memref_slice %arg3[%add3A_278, %dma_wait3A_491] : memref<24576x512xf32, #tpu.memory_space<hbm>> -> memref<48x512xf32, #tpu.memory_space<hbm>>
    %dma_wait3A_493 = arith.constant 0 : i32
    %dma_wait3A_494 = arith.constant 0 : i32
    %dma_wait3A_495 = tpu.memref_slice %arg4[%dma_wait3A_481, %dma_wait3A_493, %dma_wait3A_494] : memref<5x48x512xf32, #tpu.memory_space<vmem>> -> memref<1x48x512xf32, #tpu.memory_space<vmem>>
    %dma_wait3A_496 = tpu.memref_squeeze %dma_wait3A_495 : memref<1x48x512xf32, #tpu.memory_space<vmem>> -> memref<48x512xf32, #tpu.memory_space<vmem>>
    tpu.wait_dma2 semaphore(%dma_wait3A_490 : memref<!tpu.dma_semaphore, #tpu.memory_space<semaphore_mem>>) src(%dma_wait3A_496 : memref<48x512xf32, #tpu.memory_space<vmem>>) dst(%dma_wait3A_492 : memref<48x512xf32, #tpu.memory_space<hbm>>)
    %dma_wait3A_497 = arith.constant 0 : i32
    %dma_wait3A_498 = arith.constant 0 : i32
    %dma_wait3A_499 = arith.constant 0 : i32
    %dma_wait3A_500 = arith.constant 0 : i32
    %dma_wait3A_501 = tpu.memref_slice %arg4[%dma_wait3A_497, %dma_wait3A_499, %dma_wait3A_500] : memref<5x48x512xf32, #tpu.memory_space<vmem>> -> memref<1x48x512xf32, #tpu.memory_space<vmem>>
    %dma_wait3A_502 = tpu.memref_squeeze %dma_wait3A_501 : memref<1x48x512xf32, #tpu.memory_space<vmem>> -> memref<48x512xf32, #tpu.memory_space<vmem>>
    %dma_wait3A_503 = arith.constant 0 : i32
    %dma_wait3A_504 = tpu.memref_slice %arg3[%add3A_346, %dma_wait3A_503] : memref<24576x512xf32, #tpu.memory_space<hbm>> -> memref<48x512xf32, #tpu.memory_space<hbm>>
    %dma_wait3A_505 = tpu.memref_slice %arg6[%dma_wait3A_498] : memref<5x!tpu.dma_semaphore, #tpu.memory_space<semaphore_mem>> -> memref<1x!tpu.dma_semaphore, #tpu.memory_space<semaphore_mem>>
    %dma_wait3A_506 = tpu.memref_squeeze %dma_wait3A_505 : memref<1x!tpu.dma_semaphore, #tpu.memory_space<semaphore_mem>> -> memref<!tpu.dma_semaphore, #tpu.memory_space<semaphore_mem>>
    %dma_wait3A_507 = arith.constant 0 : i32
    %dma_wait3A_508 = tpu.memref_slice %arg3[%add3A_346, %dma_wait3A_507] : memref<24576x512xf32, #tpu.memory_space<hbm>> -> memref<48x512xf32, #tpu.memory_space<hbm>>
    %dma_wait3A_509 = arith.constant 0 : i32
    %dma_wait3A_510 = arith.constant 0 : i32
    %dma_wait3A_511 = tpu.memref_slice %arg4[%dma_wait3A_497, %dma_wait3A_509, %dma_wait3A_510] : memref<5x48x512xf32, #tpu.memory_space<vmem>> -> memref<1x48x512xf32, #tpu.memory_space<vmem>>
    %dma_wait3A_512 = tpu.memref_squeeze %dma_wait3A_511 : memref<1x48x512xf32, #tpu.memory_space<vmem>> -> memref<48x512xf32, #tpu.memory_space<vmem>>
    tpu.wait_dma2 semaphore(%dma_wait3A_506 : memref<!tpu.dma_semaphore, #tpu.memory_space<semaphore_mem>>) src(%dma_wait3A_512 : memref<48x512xf32, #tpu.memory_space<vmem>>) dst(%dma_wait3A_508 : memref<48x512xf32, #tpu.memory_space<hbm>>)
    %dma_wait3A_513 = arith.constant 1 : i32
    %dma_wait3A_514 = arith.constant 1 : i32
    %dma_wait3A_515 = arith.constant 0 : i32
    %dma_wait3A_516 = arith.constant 0 : i32
    %dma_wait3A_517 = tpu.memref_slice %arg4[%dma_wait3A_513, %dma_wait3A_515, %dma_wait3A_516] : memref<5x48x512xf32, #tpu.memory_space<vmem>> -> memref<1x48x512xf32, #tpu.memory_space<vmem>>
    %dma_wait3A_518 = tpu.memref_squeeze %dma_wait3A_517 : memref<1x48x512xf32, #tpu.memory_space<vmem>> -> memref<48x512xf32, #tpu.memory_space<vmem>>
    %dma_wait3A_519 = arith.constant 0 : i32
    %dma_wait3A_520 = tpu.memref_slice %arg3[%add3A_414, %dma_wait3A_519] : memref<24576x512xf32, #tpu.memory_space<hbm>> -> memref<48x512xf32, #tpu.memory_space<hbm>>
    %dma_wait3A_521 = tpu.memref_slice %arg6[%dma_wait3A_514] : memref<5x!tpu.dma_semaphore, #tpu.memory_space<semaphore_mem>> -> memref<1x!tpu.dma_semaphore, #tpu.memory_space<semaphore_mem>>
    %dma_wait3A_522 = tpu.memref_squeeze %dma_wait3A_521 : memref<1x!tpu.dma_semaphore, #tpu.memory_space<semaphore_mem>> -> memref<!tpu.dma_semaphore, #tpu.memory_space<semaphore_mem>>
    %dma_wait3A_523 = arith.constant 0 : i32
    %dma_wait3A_524 = tpu.memref_slice %arg3[%add3A_414, %dma_wait3A_523] : memref<24576x512xf32, #tpu.memory_space<hbm>> -> memref<48x512xf32, #tpu.memory_space<hbm>>
    %dma_wait3A_525 = arith.constant 0 : i32
    %dma_wait3A_526 = arith.constant 0 : i32
    %dma_wait3A_527 = tpu.memref_slice %arg4[%dma_wait3A_513, %dma_wait3A_525, %dma_wait3A_526] : memref<5x48x512xf32, #tpu.memory_space<vmem>> -> memref<1x48x512xf32, #tpu.memory_space<vmem>>
    %dma_wait3A_528 = tpu.memref_squeeze %dma_wait3A_527 : memref<1x48x512xf32, #tpu.memory_space<vmem>> -> memref<48x512xf32, #tpu.memory_space<vmem>>
    tpu.wait_dma2 semaphore(%dma_wait3A_522 : memref<!tpu.dma_semaphore, #tpu.memory_space<semaphore_mem>>) src(%dma_wait3A_528 : memref<48x512xf32, #tpu.memory_space<vmem>>) dst(%dma_wait3A_524 : memref<48x512xf32, #tpu.memory_space<hbm>>)
    %dma_wait3A_529 = arith.constant 2 : i32
    %dma_wait3A_530 = arith.constant 2 : i32
    %dma_wait3A_531 = arith.constant 0 : i32
    %dma_wait3A_532 = arith.constant 0 : i32
    %dma_wait3A_533 = tpu.memref_slice %arg4[%dma_wait3A_529, %dma_wait3A_531, %dma_wait3A_532] : memref<5x48x512xf32, #tpu.memory_space<vmem>> -> memref<1x48x512xf32, #tpu.memory_space<vmem>>
    %dma_wait3A_534 = tpu.memref_squeeze %dma_wait3A_533 : memref<1x48x512xf32, #tpu.memory_space<vmem>> -> memref<48x512xf32, #tpu.memory_space<vmem>>
    %dma_wait3A_535 = arith.constant 0 : i32
    %dma_wait3A_536 = tpu.memref_slice %arg3[%add3A_448, %dma_wait3A_535] : memref<24576x512xf32, #tpu.memory_space<hbm>> -> memref<48x512xf32, #tpu.memory_space<hbm>>
    %dma_wait3A_537 = tpu.memref_slice %arg6[%dma_wait3A_530] : memref<5x!tpu.dma_semaphore, #tpu.memory_space<semaphore_mem>> -> memref<1x!tpu.dma_semaphore, #tpu.memory_space<semaphore_mem>>
    %dma_wait3A_538 = tpu.memref_squeeze %dma_wait3A_537 : memref<1x!tpu.dma_semaphore, #tpu.memory_space<semaphore_mem>> -> memref<!tpu.dma_semaphore, #tpu.memory_space<semaphore_mem>>
    %dma_wait3A_539 = arith.constant 0 : i32
    %dma_wait3A_540 = tpu.memref_slice %arg3[%add3A_448, %dma_wait3A_539] : memref<24576x512xf32, #tpu.memory_space<hbm>> -> memref<48x512xf32, #tpu.memory_space<hbm>>
    %dma_wait3A_541 = arith.constant 0 : i32
    %dma_wait3A_542 = arith.constant 0 : i32
    %dma_wait3A_543 = tpu.memref_slice %arg4[%dma_wait3A_529, %dma_wait3A_541, %dma_wait3A_542] : memref<5x48x512xf32, #tpu.memory_space<vmem>> -> memref<1x48x512xf32, #tpu.memory_space<vmem>>
    %dma_wait3A_544 = tpu.memref_squeeze %dma_wait3A_543 : memref<1x48x512xf32, #tpu.memory_space<vmem>> -> memref<48x512xf32, #tpu.memory_space<vmem>>
    tpu.wait_dma2 semaphore(%dma_wait3A_538 : memref<!tpu.dma_semaphore, #tpu.memory_space<semaphore_mem>>) src(%dma_wait3A_544 : memref<48x512xf32, #tpu.memory_space<vmem>>) dst(%dma_wait3A_540 : memref<48x512xf32, #tpu.memory_space<hbm>>)
    return
  }
}

module attributes {stable_mosaic.version = 14 : i64} {
  func.func @_tc_fill_body(%arg0: i32, %arg1: memref<4096x512xf32, #tpu.memory_space<vmem>>, %arg2: memref<24576x512xf32, #tpu.memory_space<any>>, %arg3: memref<4096x512xf32, #tpu.memory_space<vmem>>) attributes {dimension_semantics = [#tpu.dimension_semantics<arbitrary>], iteration_bounds = array<i64: 3>, scalar_prefetch = 0 : i64, scratch_operands = 0 : i64, tpu.core_type = #tpu.core_type<tc>, window_params = [{transform_indices = @transform_0, window_bounds = array<i64: 4096, 512>}, {}, {transform_indices = @transform_2, window_bounds = array<i64: 4096, 512>}]} {
    %get3A = arith.constant 0 : index
    %get3A_0 = arith.constant 0 : index
    %get3A_1 = vector.load %arg1[%get3A, %get3A_0] : memref<4096x512xf32, #tpu.memory_space<vmem>>, vector<4096x512xf32>
    %swap3A = arith.constant 0 : index
    %swap3A_2 = arith.constant 0 : index
    %swap3A_3 = vector.load %arg3[%swap3A, %swap3A_2] : memref<4096x512xf32, #tpu.memory_space<vmem>>, vector<4096x512xf32>
    tpu.vector_store %arg3[%swap3A, %swap3A_2], %get3A_1 {strides = array<i32>} : memref<4096x512xf32, #tpu.memory_space<vmem>>, vector<4096x512xf32>,
    return
  }
  func.func @transform_0(%arg0: i32) -> (i32, i32) {
    %add3A = arith.constant 3 : i32
    %add3A_0 = arith.addi %add3A, %arg0 : i32
    %c0_i32 = arith.constant 0 : i32
    %c0_i32_1 = arith.constant 0 : i32
    return %add3A_0, %c0_i32 : i32, i32
  }
  func.func @transform_2(%arg0: i32) -> (i32, i32) {
    %add3A = arith.constant 3 : i32
    %add3A_0 = arith.addi %add3A, %arg0 : i32
    %c0_i32 = arith.constant 0 : i32
    %c0_i32_1 = arith.constant 0 : i32
    return %add3A_0, %c0_i32 : i32, i32
  }
}

</mosaic_0001>

<sc_bundles>
// kernel: kernel.4.cloned.1.call-start
scs
__scs_entry_jumppad:
0x0: {  	(pc) =	sbr.rel $0x88, $3  }
0x1: {  	(tag) =	ssettag $0x0;
	lr =	simm.s32 $0x1  }
0x2: {  	[smem:$0x3FA0] =	sst lr;
	_ =	strace $0xD0000000  }
0x3: {  	_ = 	snop  }
0x4: {  	_ = 	snop  }
0x5: {  	_ = 	snop  }
0x6: {  	_ = 	snop  }
0x7: {  	_ = 	snop  }
__scs_overlays_trampoline_lowered:
0x8: {  	[smem:$0x3FAF] =	sst s0  }
0x9: {  	[smem:$0x3FB0] =	sst s1  }
0xa: {  	[smem:$0x3FB1] =	sst s2  }
0xb: {  	[smem:$0x3FB2] =	sst s3  }
0xc: {  	[smem:$0x3FB3] =	sst s4  }
0xd: {  	[smem:$0x3FB4] =	sst s5  }
0xe: {  	[smem:$0x3FB5] =	sst s6  }
0xf: {  	[smem:$0x3FB6] =	sst s7  }
0x10: {  	[smem:$0x3FB7] =	sst s8  }
0x11: {  	[smem:$0x3FB8] =	sst s9;
	s0 =	simm.s32 @!p0 $0x0  }
0x12: {  	s1 =	sld [smem:$0x3F9E];
	s0 =	simm.s32 @p0 $0x1  }
0x13: {  	[smem:$0x3FB9] =	sst s0;
	s0 =	simm.s32 @!p1 $0x0  }
0x14: {  	s2 =	sld [smem:$0x3F9D];
	s0 =	simm.s32 @p1 $0x1  }
0x15: {  	[smem:$0x3FBA] =	sst s0;
	s0 =	simm.s32 @!p2 $0x0  }
0x16: {  	s3 =	sld [smem:$0x3FDB];
	s0 =	simm.s32 @p2 $0x1  }
0x17: {  	s4 =	simm.s32 $0x1BF5;
	[smem:$0x3FBC] =	sst s0  }
0x18: {  	s0 =	sld [smem:$0x3F9F];
	_ =	swait.ge [sflag:s4], $0x0  }
0x19: {  	s7 =	sld [smem:$0x3FA0]  }
0x1a: {  	s8 =	sadd.s32 $0xFFFFE003, lr  }
0x1b: {  	s9 =	sadd.s32 $0xFFFFFEF7, lr;
	s5 =	simm.s32 $0xFFFFFFFF;
	p2 =	slt.u32 s8, $0xFFFFF086  }
0x1c: {  	p1 =	slt.u32 s9, $0xF7A;
	s5 =	simm.s32 @!p2 $0x0  }
0x1d: {  	s5 =	simm.s32 @p1 $0x1;
	p0 =	seq.s32 s7, s2  }
0x1e: {  	s7 =	smul.u32 @!p0 $0xF7A, s2;
	p2 =	seq.s32 @!p0 s5, $0x0  }
0x1f: {  	s9 =	smul.u32 $0xF7A, s1;
	s8 =	simm.s32 @!p0 $0x1BF5;
	p2 =	por !p2, p0  }
0x20: {  	[sflag:s8] =	ssyncset.s32 @!p0 $0xFFFFF086;
	s6 =	sadd.s32 @!p0 s3, s7;
	s7 =	simm.s32 @!p0 $0x108  }
0x21: {  	s3 =	sadd.s32 s3, s9;
	s6 =	sadd.s32 @!p0 $0x88, s6;
	s7 =	simm.s32 @p2 $0x1082  }
0x22: {  	[simem:s7], [sflag:s8] =	dma.local @!p0 [hbm:s6], $0xF7A  }
0x23: {  	s9 =	sor.u32 $0xD0000000, s2;
	s6 =	simm.s32 $0x108;
	_ =	swait.ge @!p0 [sflag:s8], $0x0  }
0x24: {  	s3 =	sadd.s32 $0x88, s3;
	s6 =	simm.s32 @!p1 $0x1082;
	[sflag:s4] =	ssyncset.s32 $0xFFFFF086  }
0x25: {  	[simem:s6], [sflag:s4] =	dma.local [hbm:s3], $0xF7A  }
0x26: {  	[smem:$0x3FA0] =	sst s1;
	(tag) =	ssettag s2;
	_ =	strace s9  }
0x27: {  	s1 =	sld [smem:$0x3FB0]  }
0x28: {  	s2 =	sld [smem:$0x3FB1]  }
0x29: {  	s4 =	sld [smem:$0x3FB3]  }
0x2a: {  	p0 =	seq.s32 s5, $0x0;
	s5 =	sld [smem:$0x3FB4]  }
0x2b: {  	s6 =	sld [smem:$0x3FB5]  }
0x2c: {  	s7 =	sld [smem:$0x3FB6]  }
0x2d: {  	s3 =	simm.s32 $0x108;
	s8 =	sld [smem:$0x3FB7]  }
0x2e: {  	s3 =	simm.s32 @!p0 $0x1082;
	s9 =	sld [smem:$0x3FB8]  }
0x2f: {  	lr =	sadd.s32 s0, s3;
	s0 =	sld [smem:$0x3FAF]  }
0x30: {  	s3 =	sld [smem:$0x3FB2]  }
0x31: {  	[smem:$0x3FBB] =	sst s10  }
0x32: {  	s10 =	sld [smem:$0x3FB9];
	_ =	sdelay $0x3  }
0x33: {  	p0 =	seq.s32 s10, $0x1;
	s10 =	sld [smem:$0x3FBB];
	_ =	sdelay $0x3  }
0x34: {  	[smem:$0x3FBB] =	sst s10  }
0x35: {  	s10 =	sld [smem:$0x3FBA];
	_ =	sdelay $0x3  }
0x36: {  	p1 =	seq.s32 s10, $0x1;
	s10 =	sld [smem:$0x3FBB];
	_ =	sdelay $0x3  }
0x37: {  	[smem:$0x3FBB] =	sst s10  }
0x38: {  	s10 =	sld [smem:$0x3FBC]  }
0x39: {  	_ = 	snop;
	(pc) =	sbr.ind lr, $3  }
0x3a: {  	_ = 	snop  }
0x3b: {  	_ = 	snop  }
0x3c: {  	p2 =	seq.s32 s10, $0x1;
	s10 =	sld [smem:$0x3FBB]  }
0x3d: {  	_ =	shalt  }
0x3e: {  	_ =	shalt  }
0x3f: {  	_ =	shalt  }
0x40: {  	_ =	shalt  }
0x41: {  	_ =	shalt  }
0x42: {  	_ =	shalt  }
0x43: {  	_ =	shalt  }
0x44: {  	_ =	shalt  }
0x45: {  	_ =	shalt  }
0x46: {  	_ =	shalt  }
0x47: {  	_ =	shalt  }
0x48: {  	_ =	shalt  }
0x49: {  	_ =	shalt  }
0x4a: {  	_ =	shalt  }
0x4b: {  	_ =	shalt  }
0x4c: {  	_ =	shalt  }
0x4d: {  	_ =	shalt  }
0x4e: {  	_ =	shalt  }
0x4f: {  	_ =	shalt  }
0x50: {  	_ =	shalt  }
0x51: {  	_ =	shalt  }
0x52: {  	_ =	shalt  }
0x53: {  	_ =	shalt  }
0x54: {  	_ =	shalt  }
0x55: {  	_ =	shalt  }
0x56: {  	_ =	shalt  }
0x57: {  	_ =	shalt  }
0x58: {  	_ =	shalt  }
0x59: {  	_ =	shalt  }
0x5a: {  	_ =	shalt  }
0x5b: {  	_ =	shalt  }
0x5c: {  	_ =	shalt  }
0x5d: {  	_ =	shalt  }
0x5e: {  	_ =	shalt  }
0x5f: {  	_ =	shalt  }
0x60: {  	_ =	shalt  }
0x61: {  	_ =	shalt  }
0x62: {  	_ =	shalt  }
0x63: {  	_ =	shalt  }
0x64: {  	_ =	shalt  }
0x65: {  	_ =	shalt  }
0x66: {  	_ =	shalt  }
0x67: {  	_ =	shalt  }
0x68: {  	_ =	shalt  }
0x69: {  	_ =	shalt  }
0x6a: {  	_ =	shalt  }
0x6b: {  	_ =	shalt  }
0x6c: {  	_ =	shalt  }
0x6d: {  	_ =	shalt  }
0x6e: {  	_ =	shalt  }
0x6f: {  	_ =	shalt  }
0x70: {  	_ =	shalt  }
0x71: {  	_ =	shalt  }
0x72: {  	_ =	shalt  }
0x73: {  	_ =	shalt  }
0x74: {  	_ =	shalt  }
0x75: {  	_ =	shalt  }
0x76: {  	_ =	shalt  }
0x77: {  	_ =	shalt  }
0x78: {  	_ =	shalt  }
0x79: {  	_ =	shalt  }
0x7a: {  	_ =	shalt  }
0x7b: {  	_ =	shalt  }
0x7c: {  	_ =	shalt  }
0x7d: {  	_ =	shalt  }
0x7e: {  	_ =	shalt  }
0x7f: {  	_ =	shalt  }
0x80: {  	_ =	shalt  }
0x81: {  	_ =	shalt  }
0x82: {  	_ =	shalt  }
0x83: {  	_ =	shalt  }
0x84: {  	_ =	shalt  }
0x85: {  	_ =	shalt  }
0x86: {  	_ =	shalt  }
0x87: {  	_ =	shalt  }
.Lfunc_end0:
.L_simem_size_0:
called_computation_lowered:
.L_overlay_start_0:
0x88: {  	s2 =	sld [smem:$0x3FD9]  }
0x89: {  	s3 =	sld [smem:$0x3FFE];
	_ =	sdelay $0x1  }
0x8a: {  	s1 =	srdreg.scid  }
0x8b: {  	s0 =	sand.u32 $0x1, s1  }
0x8c: {  	s18 =	sshll.u32 s0, $0xA;
	s2 =	sadd.s32 s3, s2  }
0x8d: {  	s2 =	sadd.s32 s2, s18  }
0x8e: {  	[smem:$0x3FC7] =	sst s2  }
0x8f: {  	_ = 	snop  }
0x90: {  	s2 =	sld [smem:$0x3FC9]  }
0x91: {  	s19 =	sld [smem:$0x3FD0];
	(tm) =	ssettm $0x1  }
0x92: {  	s4 =	sld [smem:$0x3FFB];
	_ =	sdelay $0x3  }
0x93: {  	_ =	strace s4  }
0x94: {  	s4 =	sld [smem:$0x3FFC];
	_ =	sdelay $0x3  }
0x95: {  	_ =	strace s4  }
0x96: {  	s4 =	sld [smem:$0x3FFD];
	_ =	sdelay $0x3  }
0x97: {  	_ =	strace s4  }
0x98: {  	_ =	strace $0x8FFFFFFF  }
0x99: {  	s20 =	sld [smem:$0x3FDB];
	_ =	sdelay $0x1  }
0x9a: {  	s5 =	simm.s32 $_scs_section_size  }
0x9b: {  	s6 =	simm.s32 $_size__tile_overlayer_lowered;
	s7 =	simm.s32 $_tile_overlayer_lowered  }
0x9c: {  	s23 =	simm.s32 $0x1BFF;
	s22 =	sshll.u32 s7, $0x1;
	s4 =	sadd.s32 s5, s20  }
0x9d: {  	s8 =	simm.s32 $0x0;
	s21 =	sshll.u32 s6, $0x1;
	s6 =	sadd.s32 s22, s4  }
0x9e: {  	[timem:s8], [sflag:s23] =	dma.local [hbm:s6], s21  }
0x9f: {  	_ =	swait.ge [sflag:s23], s21  }
0xa0: {  	s5 =	ssub.s32 $0x0, s21;
	[sflag:s23] =	ssyncset.done $0x0  }
0xa1: {  	[sflag:s23] =	ssyncadd.s32 s5;
	_ =	sdelay $0x1  }
0xa2: {  	s24 =	simm.s32 $0x1B8B  }
0xa3: {  	_ =	swait.ge [sflag:s24], $0x1  }
0xa4: {  	[sflag:s24] =	ssyncset.done $0x0  }
0xa5: {  	s25 =	simm.s32 $0x1B8E;
	[sflag:s24] =	ssyncadd.s32 $0xFFFFFFFF  }
0xa6: {  	s26 =	simm.s32 $execute0_lowered;
	[smem:$0x3FD2] =	sst s25  }
0xa7: {  	s5 =	sshll.u32 s26, $0x1;
	_ =	strace $0x80000046;
	[dreg:$0x1] =	wrdreg $0xFFFFFFFF  }
0xa8: {  	s28 =	simm.s32 $_size_execute0_lowered;
	s4 =	sadd.s32 s4, s5;
	[dreg:$0x0] =	wrdreg $0x0  }
0xa9: {  	s5 =	sshll.u32 s28, $0x1;
	[dreg:$0x2] =	wrdreg s4  }
0xaa: {  	[dreg:$0x3] =	wrdreg s5  }
0xab: {  	[dreg:$0x4] =	wrdreg $0xC0  }
0xac: {  	_ =	task [dreg:s8], $0x5FFFF  }
0xad: {  	[dreg:$0x1] =	wrdreg $0xFFFFFFFF  }
0xae: {  	[dreg:$0x0] =	wrdreg $0x60  }
0xaf: {  	[dreg:$0x2] =	wrdreg s2  }
0xb0: {  	[dreg:$0x3] =	wrdreg s19  }
0xb1: {  	[dreg:$0x4] =	wrdreg $0x9  }
0xb2: {  	_ =	task.clear_ibuf [dreg:s8], $0x5FFFF;
	_ =	strace $0x90000046  }
0xb3: {  	s29 =	simm.s32 $0x9;
	_ =	strace $0x80000048  }
0xb4: {  	_ =	swait.ge [sflag:s29], $0x1  }
0xb5: {  	[sflag:s29] =	ssyncadd.s32 $0xFFFFFFFF  }
0xb6: {  	_ =	strace $0x90000048  }
0xb7: {  	_ =	sfence  }
0xb8: {  	s30 =	sld [smem:$0x0];
	_ =	sdelay $0x2  }
0xb9: {  	s31 =	sshll.u32 s1, $0xD;
	s1 =	sshrl.u32 s1, $0x2  }
0xba: {  	s3 =	sand.u32 $0x4000, s31;
	s1 =	sadd.s32 s1, s30  }
0xbb: {  	s0 =	sor.u32 s3, s0;
	s1 =	sshll.u32 s1, $0x11  }
0xbc: {  	s0 =	sor.u32 s1, s0  }
0xbd: {  	s0 =	sadd.s32 $0x8F2B, s0  }
0xbe: {  	[sflag:s0] =	ssyncadd.remote.s32 $0x1  }
0xbf: {  	_ =	sfence.sel $0xFFFF  }
0xc0: {  	[dreg:$0x0] =	wrdreg $0xFFFFFFFF;
	(pc) =	sbr.abs _section_cstart, $3  }
0xc1: {  	[dreg:$0x1] =	wrdreg $0xFFFFFFFF  }
0xc2: {  	_ =	task.clear_ibuf [dreg:s8], $0x2FFFF;
	_ =	strace $0x9FFFFFFF  }
0xc3: {  	(tm) =	ssettm $0x7FFFFFFF  }
tec
execute0_lowered:
.L_overlay_start_1:
0x0: {  	(tag) =	ssettag $0x1  }
0x1: {  	s1 =	srdreg.scid;
	s0 =	stileid.u32  }
0x2: {  	s1 =	sand.u32 $0x1, s1;
	s2 =	sshll.u32 s0, $0x1  }
0x3: {  	s3 =	sor.u32 s1, s2  }
0x4: {  	s26 =	rddreg [dreg:$0x0];
	s11 =	smul.u32 $0x6000, s3  }
0x5: {  	s29 =	rddreg [dreg:$0x1];
	s2 =	simm.s32 $0x0  }
0x6: {  	[smem:$0x7FF] =	sst s2;
	s4 =	sadd.s32 s26, s11  }
0x7: {  	_ =	strace $0x80000047;
	s13 =	sor.u32 $0xC00, s11;
	[dreg:$0x3] =	wrdreg s4  }
0x8: {  	s7 =	simm.s32 $0x12000;
	s23 =	sadd.s32 s26, s13;
	s5 =	rddreg [dreg:$0x3]  }
0x9: {  	s3 =	smul.u32 $0x30000, s3;
	s15 =	sor.u32 $0x1800, s11;
	[dreg:$0x4] =	wrdreg s23  }
0xa: {  	[tilespmem:s2], [sflag:$0x1] =	stream.linear.gather [hbm4b:s5+s2], $0x6000, $0x38;
	[tilespmem:$0x1E000] =	vst v63  }
0xb: {  	s28 =	sshrl.u32 s3, $0x3;
	s3 =	simm.s32 $0x6000;
	s4 =	rddreg [dreg:$0x4]  }
0xc: {  	[tilespmem:s3], [sflag:$0x2] =	stream.linear.gather [hbm4b:s4+s2], $0x6000, $0x38;
	[tilespmem:$0x1E000] =	vst v63  }
0xd: {  	s24 =	sadd.s32 s26, s15;
	s17 =	sadd.s32 $0x2400, s28;
	s5 =	simm.s32 $0xC000  }
0xe: {  	[tilespmem:s5], [sflag:$0x3] =	stream.linear.gather [hbm4b:s24+s2], $0x6000, $0x38;
	[tilespmem:$0x1E000] =	vst v63  }
0xf: {  	s9 =	simm.s32 $0x18000;
	s21 =	sadd.s32 $0x3000, s28;
	s25 =	sadd.s32 s26, s17  }
0x10: {  	[tilespmem:s7], [sflag:$0x4] =	stream.linear.gather [hbm4b:s25+s2], $0x6000, $0x38;
	[tilespmem:$0x1E000] =	vst v63  }
0x11: {  	s10 =	simm.s32 $0x1;
	[dreg:$0x5] =	wrdreg s24;
	s8 =	sadd.s32 s26, s21  }
0x12: {  	[tilespmem:s9], [sflag:$0x5] =	stream.linear.gather [hbm4b:s8+s2], $0x6000, $0x38;
	[tilespmem:$0x1E000] =	vst v63  }
0x13: {  	_ =	swait.ge [sflag:s10], $0x6000  }
0x14: {  	[sflag:s10] =	ssyncset.done $0x0  }
0x15: {  	s12 =	simm.s32 $0x2;
	s11 =	sadd.s32 s29, s11;
	[sflag:s10] =	ssyncadd.s32 $0xFFFFA000  }
0x16: {  	[hbm4b:s11+s2] =	stream.linear.scatter [tilespmem:s2], [sflag:$0x6], $0x6000, $0x38;
	[tilespmem:$0x1E000] =	vst v63  }
0x17: {  	_ =	swait.ge [sflag:s12], $0x6000  }
0x18: {  	[sflag:s12] =	ssyncset.done $0x0  }
0x19: {  	s14 =	simm.s32 $0x3;
	s13 =	sadd.s32 s29, s13;
	[sflag:s12] =	ssyncadd.s32 $0xFFFFA000  }
0x1a: {  	[hbm4b:s13+s2] =	stream.linear.scatter [tilespmem:s3], [sflag:$0x7], $0x6000, $0x38;
	[tilespmem:$0x1E000] =	vst v63  }
0x1b: {  	_ =	swait.ge [sflag:s14], $0x6000  }
0x1c: {  	[sflag:s14] =	ssyncset.done $0x0  }
0x1d: {  	s16 =	simm.s32 $0x4;
	s15 =	sadd.s32 s29, s15;
	[sflag:s14] =	ssyncadd.s32 $0xFFFFA000  }
0x1e: {  	[hbm4b:s15+s2] =	stream.linear.scatter [tilespmem:s5], [sflag:$0x8], $0x6000, $0x38;
	[tilespmem:$0x1E000] =	vst v63  }
0x1f: {  	_ =	swait.ge [sflag:s16], $0x6000  }
0x20: {  	[sflag:s16] =	ssyncset.done $0x0  }
0x21: {  	s18 =	simm.s32 $0x6;
	s17 =	sadd.s32 s29, s17;
	[sflag:s16] =	ssyncadd.s32 $0xFFFFA000  }
0x22: {  	[hbm4b:s17+s2] =	stream.linear.scatter [tilespmem:s7], [sflag:$0x9], $0x6000, $0x38;
	[tilespmem:$0x1E000] =	vst v63  }
0x23: {  	_ =	swait.ge [sflag:s18], $0x6000  }
0x24: {  	s24 =	sadd.s32 $0x3C00, s28;
	[sflag:s18] =	ssyncset.done $0x0  }
0x25: {  	s20 =	simm.s32 $0x5;
	s19 =	sadd.s32 s26, s24;
	[sflag:s18] =	ssyncadd.s32 $0xFFFFA000  }
0x26: {  	[tilespmem:s2], [sflag:$0x1] =	stream.linear.gather [hbm4b:s19+s2], $0x6000, $0x38;
	[tilespmem:$0x1E000] =	vst v63  }
0x27: {  	_ =	swait.ge [sflag:s20], $0x6000  }
0x28: {  	[sflag:s20] =	ssyncset.done $0x0  }
0x29: {  	s22 =	simm.s32 $0x7;
	s21 =	sadd.s32 s29, s21;
	[sflag:s20] =	ssyncadd.s32 $0xFFFFA000  }
0x2a: {  	[hbm4b:s21+s2] =	stream.linear.scatter [tilespmem:s9], [sflag:$0xA], $0x6000, $0x38;
	[tilespmem:$0x1E000] =	vst v63  }
0x2b: {  	_ =	swait.ge [sflag:s22], $0x6000  }
0x2c: {  	s30 =	sadd.s32 $0x4800, s28;
	[sflag:s22] =	ssyncset.done $0x0  }
0x2d: {  	s23 =	sadd.s32 s26, s30;
	[sflag:s22] =	ssyncadd.s32 $0xFFFFA000  }
0x2e: {  	[tilespmem:s3], [sflag:$0x2] =	stream.linear.gather [hbm4b:s23+s2], $0x6000, $0x38;
	[tilespmem:$0x1E000] =	vst v63  }
0x2f: {  	_ =	swait.ge [sflag:s10], $0x6000  }
0x30: {  	s6 =	smov.u32 s25;
	[sflag:s10] =	ssyncset.done $0x0  }
0x31: {  	s24 =	sadd.s32 s29, s24;
	s25 =	simm.s32 $0x8;
	[sflag:s10] =	ssyncadd.s32 $0xFFFFA000  }
0x32: {  	[hbm4b:s24+s2] =	stream.linear.scatter [tilespmem:s2], [sflag:$0x6], $0x6000, $0x38;
	[tilespmem:$0x1E000] =	vst v63  }
0x33: {  	_ =	swait.ge [sflag:s25], $0x6000  }
0x34: {  	s31 =	sadd.s32 $0x5400, s28;
	[sflag:s25] =	ssyncset.done $0x0  }
0x35: {  	s26 =	sadd.s32 s26, s31;
	[sflag:s25] =	ssyncadd.s32 $0xFFFFA000  }
0x36: {  	[tilespmem:s5], [sflag:$0x3] =	stream.linear.gather [hbm4b:s26+s2], $0x6000, $0x38;
	[tilespmem:$0x1E000] =	vst v63  }
0x37: {  	_ =	swait.ge [sflag:s12], $0x6000  }
0x38: {  	[sflag:s12] =	ssyncset.done $0x0  }
0x39: {  	s28 =	sadd.s32 s29, s30;
	[sflag:s12] =	ssyncadd.s32 $0xFFFFA000  }
0x3a: {  	[hbm4b:s28+s2] =	stream.linear.scatter [tilespmem:s3], [sflag:$0x7], $0x6000, $0x38;
	[tilespmem:$0x1E000] =	vst v63  }
0x3b: {  	_ =	swait.ge [sflag:s14], $0x6000  }
0x3c: {  	[sflag:s14] =	ssyncset.done $0x0  }
0x3d: {  	s30 =	simm.s32 $0x9;
	s29 =	sadd.s32 s29, s31;
	[sflag:s14] =	ssyncadd.s32 $0xFFFFA000  }
0x3e: {  	[hbm4b:s29+s2] =	stream.linear.scatter [tilespmem:s5], [sflag:$0x8], $0x6000, $0x38;
	[tilespmem:$0x1E000] =	vst v63  }
0x3f: {  	_ =	swait.ge [sflag:s30], $0x6000  }
0x40: {  	[sflag:s30] =	ssyncset.done $0x0  }
0x41: {  	s31 =	simm.s32 $0xA;
	[sflag:s30] =	ssyncadd.s32 $0xFFFFA000  }
0x42: {  	s1 =	ssub.s32 $0x2, s1;
	_ =	swait.ge [sflag:s31], $0x6000  }
0x43: {  	s4 =	sshrl.u32 s1, $0x1;
	[sflag:s31] =	ssyncset.done $0x0  }
0x44: {  	s0 =	ssub.s32 s1, s4;
	[sflag:s31] =	ssyncadd.s32 $0xFFFFA000  }
0x45: {  	s0 =	smax.u32 s0, $0x1;
	_ =	swait.ge [sflag:s18], $0x6000  }
0x46: {  	p0 =	sne.s32 s0, $0x1;
	[sflag:s18] =	ssyncset.done $0x0  }
.Ltmp0:
0x47: {  	[sflag:s18] =	ssyncadd.s32 $0xFFFFA000;
	(pc) =	sbr.rel @!p0 .LBB2_2-.Ltmp0, $4  }
0x48: {  	_ =	swait.ge [sflag:s22], $0x6000  }
0x49: {  	[sflag:s22] =	ssyncset.done $0x0  }
0x4a: {  	[sflag:s22] =	ssyncadd.s32 $0xFFFFA000  }
0x4b: {  	s1 =	sadd.s32 $0xFFFFFFFF, s0;
	_ =	swait.ge [sflag:s25], $0x6000  }
.LBB2_1:
0x4c: {  	[sflag:s25] =	ssyncset.done $0x0  }
0x4d: {  	s0 =	rddreg [dreg:$0x3];
	[sflag:s25] =	ssyncadd.s32 $0xFFFFA000  }
0x4e: {  	[tilespmem:s2], [sflag:$0x1] =	stream.linear.gather [hbm4b:s0+s2], $0x6000, $0x38;
	[tilespmem:$0x1E000] =	vst v63  }
0x4f: {  	s4 =	rddreg [dreg:$0x4]  }
0x50: {  	[tilespmem:s3], [sflag:$0x2] =	stream.linear.gather [hbm4b:s4+s2], $0x6000, $0x38;
	[tilespmem:$0x1E000] =	vst v63  }
0x51: {  	s4 =	rddreg [dreg:$0x5]  }
0x52: {  	[tilespmem:s5], [sflag:$0x3] =	stream.linear.gather [hbm4b:s4+s2], $0x6000, $0x38;
	[tilespmem:$0x1E000] =	vst v63  }
0x53: {  	_ = 	snop  }
0x54: {  	[tilespmem:s7], [sflag:$0x4] =	stream.linear.gather [hbm4b:s6+s2], $0x6000, $0x38;
	[tilespmem:$0x1E000] =	vst v63  }
0x55: {  	_ = 	snop  }
0x56: {  	[tilespmem:s9], [sflag:$0x5] =	stream.linear.gather [hbm4b:s8+s2], $0x6000, $0x38;
	[tilespmem:$0x1E000] =	vst v63  }
0x57: {  	_ =	swait.ge [sflag:s10], $0x6000  }
0x58: {  	[sflag:s10] =	ssyncset.done $0x0  }
0x59: {  	[sflag:s10] =	ssyncadd.s32 $0xFFFFA000  }
0x5a: {  	[hbm4b:s11+s2] =	stream.linear.scatter [tilespmem:s2], [sflag:$0x6], $0x6000, $0x38;
	[tilespmem:$0x1E000] =	vst v63  }
0x5b: {  	_ =	swait.ge [sflag:s12], $0x6000  }
0x5c: {  	[sflag:s12] =	ssyncset.done $0x0  }
0x5d: {  	[sflag:s12] =	ssyncadd.s32 $0xFFFFA000  }
0x5e: {  	[hbm4b:s13+s2] =	stream.linear.scatter [tilespmem:s3], [sflag:$0x7], $0x6000, $0x38;
	[tilespmem:$0x1E000] =	vst v63  }
0x5f: {  	_ =	swait.ge [sflag:s14], $0x6000  }
0x60: {  	[sflag:s14] =	ssyncset.done $0x0  }
0x61: {  	[sflag:s14] =	ssyncadd.s32 $0xFFFFA000  }
0x62: {  	[hbm4b:s15+s2] =	stream.linear.scatter [tilespmem:s5], [sflag:$0x8], $0x6000, $0x38;
	[tilespmem:$0x1E000] =	vst v63  }
0x63: {  	_ =	swait.ge [sflag:s16], $0x6000  }
0x64: {  	[sflag:s16] =	ssyncset.done $0x0  }
0x65: {  	[sflag:s16] =	ssyncadd.s32 $0xFFFFA000  }
0x66: {  	[hbm4b:s17+s2] =	stream.linear.scatter [tilespmem:s7], [sflag:$0x9], $0x6000, $0x38;
	[tilespmem:$0x1E000] =	vst v63  }
0x67: {  	_ =	swait.ge [sflag:s18], $0x6000  }
0x68: {  	[sflag:s18] =	ssyncset.done $0x0  }
0x69: {  	[sflag:s18] =	ssyncadd.s32 $0xFFFFA000  }
0x6a: {  	[tilespmem:s2], [sflag:$0x1] =	stream.linear.gather [hbm4b:s19+s2], $0x6000, $0x38;
	[tilespmem:$0x1E000] =	vst v63  }
0x6b: {  	_ =	swait.ge [sflag:s20], $0x6000  }
0x6c: {  	[sflag:s20] =	ssyncset.done $0x0  }
0x6d: {  	[sflag:s20] =	ssyncadd.s32 $0xFFFFA000  }
0x6e: {  	[hbm4b:s21+s2] =	stream.linear.scatter [tilespmem:s9], [sflag:$0xA], $0x6000, $0x38;
	[tilespmem:$0x1E000] =	vst v63  }
0x6f: {  	_ =	swait.ge [sflag:s22], $0x6000  }
0x70: {  	[sflag:s22] =	ssyncset.done $0x0  }
0x71: {  	[sflag:s22] =	ssyncadd.s32 $0xFFFFA000  }
0x72: {  	[tilespmem:s3], [sflag:$0x2] =	stream.linear.gather [hbm4b:s23+s2], $0x6000, $0x38;
	[tilespmem:$0x1E000] =	vst v63  }
0x73: {  	_ =	swait.ge [sflag:s10], $0x6000  }
0x74: {  	[sflag:s10] =	ssyncset.done $0x0  }
0x75: {  	[sflag:s10] =	ssyncadd.s32 $0xFFFFA000  }
0x76: {  	[hbm4b:s24+s2] =	stream.linear.scatter [tilespmem:s2], [sflag:$0x6], $0x6000, $0x38;
	[tilespmem:$0x1E000] =	vst v63  }
0x77: {  	_ =	swait.ge [sflag:s25], $0x6000  }
0x78: {  	[sflag:s25] =	ssyncset.done $0x0  }
0x79: {  	[sflag:s25] =	ssyncadd.s32 $0xFFFFA000  }
0x7a: {  	[tilespmem:s5], [sflag:$0x3] =	stream.linear.gather [hbm4b:s26+s2], $0x6000, $0x38;
	[tilespmem:$0x1E000] =	vst v63  }
0x7b: {  	_ =	swait.ge [sflag:s12], $0x6000  }
0x7c: {  	[sflag:s12] =	ssyncset.done $0x0  }
0x7d: {  	[sflag:s12] =	ssyncadd.s32 $0xFFFFA000  }
0x7e: {  	[hbm4b:s28+s2] =	stream.linear.scatter [tilespmem:s3], [sflag:$0x7], $0x6000, $0x38;
	[tilespmem:$0x1E000] =	vst v63  }
0x7f: {  	_ =	swait.ge [sflag:s14], $0x6000  }
0x80: {  	[sflag:s14] =	ssyncset.done $0x0  }
0x81: {  	[sflag:s14] =	ssyncadd.s32 $0xFFFFA000  }
0x82: {  	[hbm4b:s29+s2] =	stream.linear.scatter [tilespmem:s5], [sflag:$0x8], $0x6000, $0x38;
	[tilespmem:$0x1E000] =	vst v63  }
0x83: {  	_ =	swait.ge [sflag:s30], $0x6000  }
0x84: {  	[sflag:s30] =	ssyncset.done $0x0  }
0x85: {  	[sflag:s30] =	ssyncadd.s32 $0xFFFFA000  }
0x86: {  	_ =	swait.ge [sflag:s31], $0x6000  }
0x87: {  	[sflag:s31] =	ssyncset.done $0x0  }
0x88: {  	[sflag:s31] =	ssyncadd.s32 $0xFFFFA000  }
0x89: {  	_ =	swait.ge [sflag:s18], $0x6000  }
0x8a: {  	p0 =	sne.s32 s1, $0x1;
	[sflag:s18] =	ssyncset.done $0x0  }
.Ltmp1:
0x8b: {  	[sflag:s18] =	ssyncadd.s32 $0xFFFFA000;
	(pc) =	sbr.rel @p0 .LBB2_1-.Ltmp1, $4  }
0x8c: {  	_ =	swait.ge [sflag:s22], $0x6000  }
0x8d: {  	[sflag:s22] =	ssyncset.done $0x0  }
0x8e: {  	[sflag:s22] =	ssyncadd.s32 $0xFFFFA000  }
0x8f: {  	s1 =	sadd.s32 $0xFFFFFFFF, s1;
	_ =	swait.ge [sflag:s25], $0x6000  }
.LBB2_2:
0x90: {  	[sflag:s25] =	ssyncset.done $0x0  }
0x91: {  	[sflag:s25] =	ssyncadd.s32 $0xFFFFA000  }
0x92: {  	_ =	sfence.sel $0x180000  }
0x93: {  	[bflag:$0x0] =	sbarrier.arrive $0xFFFF  }
0x94: {  	_ =	strace $0x90000047  }
0x95: {  	s0 =	stileid.u32;
	[bflag:$0x2] =	sbarrier.arrive $0xFFFF  }
0x96: {  	p0 =	sne.s32 s0, $0x0;
	s0 =	rddreg [dreg:$0x2]  }
0x97: {  	s0 =	sadd.s32 @!p0 $0x100000, s0  }
0x98: {  	[sflag:s0] =	ssyncadd.tile.s32 @!p0 $0x1;
	_ =	shalt  }
.Lfunc_end2:
_tile_overlayer_lowered:
.L_overlay_start_2:
0x99: {  	(tag) =	ssettag $0x2  }
0x9a: {  	s0 =	rddreg [dreg:$0x0];
	s2 =	stileid.u32  }
0x9b: {  	s1 =	rddreg [dreg:$0x1];
	p0 =	sne.s32 s2, $0x0  }
0x9c: {  	s3 =	rddreg [dreg:$0x2];
	[bflag:$0x3] =	sbarrier.arrive $0xFFFF;
	s2 =	simm.s32 @!p0 $0x1C0B  }
0x9d: {  	[timem:s3], [sflag:s2] =	dma.local @!p0 [hbm:s0], s1  }
0x9e: {  	s0 =	simm.s32 @!p0 $0xB  }
0x9f: {  	_ =	swait.ge @!p0 [sflag:s0], s1  }
0xa0: {  	s1 =	ssub.s32 @!p0 $0x0, s1;
	[sflag:s0] =	ssyncset.done @!p0 $0x0  }
0xa1: {  	[sflag:s0] =	ssyncadd.s32 @!p0 s1  }
0xa2: {  	[bflag:$0x3] =	sbarrier.arrive $0xFFFF  }
0xa3: {  	_ =	shalt  }

</sc_bundles>
